<compile_context>
chip_gen: v7x
topology: tpu7x:2x2x1
jax: 0.10.2.dev20260603
libtpu: 0.0.44.dev20260713+nightly
codegen_flags: <defaults>
</compile_context>

<pallas_src>
import functools

import jax
import jax.numpy as jnp
from jax import lax
from jax.experimental import pallas as pl
from jax.experimental.pallas import tpu as pltpu
from jax.experimental.pallas import tpu_sc as plsc

_D = 96
_IC = 256


def _mlp_table_body(emb_ref, w1_ref, b1_ref, w2_ref, b2_ref, w4_ref, b4_ref,
                    out_ref):
    h = jnp.dot(emb_ref[...], w1_ref[...],
                preferred_element_type=jnp.float32) + b1_ref[...]
    h = jnp.maximum(h, 0.0)
    h = jnp.dot(h, w2_ref[...], preferred_element_type=jnp.float32) + b2_ref[...]
    h = jnp.maximum(h, 0.0)
    out_ref[...] = (jnp.dot(h, w4_ref[...], preferred_element_type=jnp.float32)
                    + b4_ref[...])


def _mlp_table(emb_p, W1, b1, W2, b2, W4, b4):
    return pl.pallas_call(
        _mlp_table_body,
        out_shape=jax.ShapeDtypeStruct((16, _D), jnp.float32),
    )(emb_p, W1, b1.reshape(1, _D), W2, b2.reshape(1, _D),
      W4, b4.reshape(1, _D))


@functools.partial(jax.jit, static_argnums=(2, 3))
def _sc_gather(tbl_sk, idx_t, n, seq):
    info = plsc.get_sparse_core_info()
    nw = info.num_cores * info.num_subcores
    nc = info.num_cores
    L = info.num_lanes
    assert n % (nw * 2 * _IC) == 0
    i_per_w = n // nw
    groups = _IC // L
    drow = 16 * L

    mesh = plsc.VectorSubcoreMesh(core_axis_name="c", subcore_axis_name="s")

    @functools.partial(
        pl.kernel,
        mesh=mesh,
        compiler_params=pltpu.CompilerParams(needs_layout_passes=False),
        out_type=jax.ShapeDtypeStruct((seq, _D, n), jnp.float32),
        scratch_types=[
            pltpu.VMEM((_D * drow,), jnp.float32),
            pltpu.VMEM((seq, i_per_w), jnp.int32),
            pltpu.VMEM((_D, _IC), jnp.float32),
            pltpu.VMEM((_D, _IC), jnp.float32),
            pltpu.SemaphoreType.DMA,
            pltpu.SemaphoreType.DMA,
        ],
    )
    def k(tbl_hbm, idx_hbm, out_hbm, tbl_v, idx_v, rows0, rows1, sem0, sem1):
        wid = lax.axis_index("s") * nc + lax.axis_index("c")
        i0w = pl.multiple_of(wid * i_per_w, i_per_w)
        pltpu.sync_copy(tbl_hbm, tbl_v)
        pltpu.sync_copy(idx_hbm.at[:, pl.ds(i0w, i_per_w)], idx_v)
        rows = [rows0, rows1]
        sems = [sem0, sem1]
        laneoff = lax.iota(jnp.int32, L)

        def make_copy(b, j):
            return pltpu.make_async_copy(
                rows[b],
                out_hbm.at[j, :, pl.ds(pl.multiple_of(i0w + b * _IC, _IC),
                                       _IC)],
                sems[b])

        def jloop(j, carry):
            for b in range(2):
                @pl.when(j > 0)
                def _wait(b=b, j=j):
                    make_copy(b, j - 1).wait()

                tmps = [
                    idx_v[j, pl.ds(b * _IC + g * L, L)] * L + laneoff
                    for g in range(groups)
                ]

                @plsc.parallel_loop(0, _D, unroll=1)
                def dloop(d, b=b):
                    doff = d * drow
                    for g in range(groups):
                        v = plsc.load_gather(tbl_v, [tmps[g] + doff])
                        rows[b][d, pl.ds(g * L, L)] = v

                make_copy(b, j).start()
            return carry

        lax.fori_loop(0, seq, jloop, 0)
        for b in range(2):
            make_copy(b, seq - 1).wait()

    return k(tbl_sk, idx_t)


def kernel(x, r, c, emb_input, emb_row, emb_col, W1, b1, W2, b2, W4, b4):
    del r, c, emb_row, emb_col
    n, s = x.shape
    emb_p = jnp.zeros((16, 16), jnp.float32).at[:emb_input.shape[0]].set(
        emb_input)
    table = _mlp_table(emb_p, W1, b1, W2, b2, W4, b4)
    tt = table.T
    tbl_sk = jnp.broadcast_to(tt[:, :, None], (_D, 16, 16))
    idx_t = x.astype(jnp.int32).T
    out_t = _sc_gather(tbl_sk.reshape(-1), idx_t, n, s)
    return jnp.transpose(out_t, (2, 0, 1))

# --- scband reference (transcript-rebuilt; emitter-appended) ---
"""Pipeline reference for scband-embedx-53764400611565 (READ-ONLY COPY).

The authoritative reference and input builder live on the scoring server;
editing this copy changes nothing except your own understanding.
"""

import jax, jax.numpy as jnp
import numpy as np


def setup_inputs(seed: int = 0) -> dict:
    key = jax.random.key(seed)
    ks = jax.random.split(key, 12)
    x = jax.random.randint(ks[0], (16384, 50), 0, 9)
    r = jax.random.randint(ks[1], (16384, 50), 0, 8)
    c = jax.random.randint(ks[2], (16384, 50), 0, 8)
    emb_input = jax.random.normal(ks[3], (9, 16), dtype=jnp.float32)
    emb_row = jax.random.normal(ks[4], (8, 16), dtype=jnp.float32)
    emb_col = jax.random.normal(ks[5], (8, 16), dtype=jnp.float32)
    W1 = jax.random.normal(ks[6], (16, 96), dtype=jnp.float32) * 0.1
    b1 = jnp.zeros((96,), dtype=jnp.float32)
    W2 = jax.random.normal(ks[7], (96, 96), dtype=jnp.float32) * 0.1
    b2 = jnp.zeros((96,), dtype=jnp.float32)
    W4 = jax.random.normal(ks[8], (96, 96), dtype=jnp.float32) * 0.1
    b4 = jnp.zeros((96,), dtype=jnp.float32)
    return {"x": x, "r": r, "c": c,
            "emb_input": emb_input, "emb_row": emb_row, "emb_col": emb_col,
            "W1": W1, "b1": b1, "W2": W2, "b2": b2, "W4": W4, "b4": b4}


def reference(x, r, c, emb_input, emb_row, emb_col, W1, b1, W2, b2, W4, b4):
    # embedding lookups (gather rows)
    xe = jnp.take(emb_input, x, axis=0)
    re = jnp.take(emb_row, r, axis=0)   # computed but unused downstream (faithful to original)
    ce = jnp.take(emb_col, c, axis=0)   # computed but unused downstream (faithful to original)
    # MLP over x embedding
    h = jax.nn.relu(xe @ W1 + b1)
    h = jax.nn.relu(h @ W2 + b2)
    out = h @ W4 + b4
    return out

if __name__ == "__main__":
    import jax
    _d = setup_inputs()
    print(jax.jit(kernel)(*tuple(_d.values())))

</pallas_src>

<mosaic_0001>
#map = affine_map<(d0, d1) -> (0)>
#map1 = affine_map<(d0, d1) -> (0, 0)>
#map2 = affine_map<(d0, d1) -> (0, 0, 0)>
module attributes {stable_mosaic.version = 14 : i64} {
  func.func @k(%arg0: i32, %arg1: i32, %arg2: memref<24576xf32, #tpu.memory_space<hbm>>, %arg3: memref<50x16384xi32, #tpu.memory_space<hbm>>, %arg4: memref<50x96x16384xf32, #tpu.memory_space<hbm>>, %arg5: memref<24576xf32, #tpu.memory_space<vmem>>, %arg6: memref<50x512xi32, #tpu.memory_space<vmem>>, %arg7: memref<96x256xf32, #tpu.memory_space<vmem>>, %arg8: memref<96x256xf32, #tpu.memory_space<vmem>>, %arg9: memref<!tpu.dma_semaphore, #tpu.memory_space<semaphore_mem>>, %arg10: memref<!tpu.dma_semaphore, #tpu.memory_space<semaphore_mem>>) attributes {dimension_semantics = [#tpu.dimension_semantics<core_parallel>, #tpu.dimension_semantics<subcore_parallel>], iteration_bounds = array<i64: 2, 16>, scalar_prefetch = 0 : i64, scratch_operands = 6 : i64, tpu.core_type = #tpu.core_type<sc_vector_subcore>, window_params = [{transform_indices = #map}, {transform_indices = #map1}, {transform_indices = #map2}]} {
    %mul3A = arith.constant 2 : i32
    %mul3A_0 = arith.muli %arg1, %mul3A : i32
    %add3A = arith.addi %mul3A_0, %arg0 : i32
    %mul3A_1 = arith.constant 512 : i32
    %mul3A_2 = arith.muli %add3A, %mul3A_1 : i32
    %multiple_of3A = tpu.assume_multiple %mul3A_2, 512 : i32
    "tpu.region"() ({
      %run_scoped3A = tpu.sem_alloc : memref<!tpu.dma_semaphore, #tpu.memory_space<semaphore_mem>>
      tpu.enqueue_dma source(%arg2 : memref<24576xf32, #tpu.memory_space<hbm>>) target(%arg5 : memref<24576xf32, #tpu.memory_space<vmem>>) target_semaphore(%run_scoped3A : memref<!tpu.dma_semaphore, #tpu.memory_space<semaphore_mem>>)
      tpu.wait_dma2 semaphore(%run_scoped3A : memref<!tpu.dma_semaphore, #tpu.memory_space<semaphore_mem>>) src(%arg2 : memref<24576xf32, #tpu.memory_space<hbm>>) dst(%arg5 : memref<24576xf32, #tpu.memory_space<vmem>>)
      tpu.yield
    }) : () -> ()
    "tpu.region"() ({
      %run_scoped3A = tpu.sem_alloc : memref<!tpu.dma_semaphore, #tpu.memory_space<semaphore_mem>>
      %dma_start3A = arith.constant 0 : i32
      %dma_start3A_27 = tpu.memref_slice %arg3[%dma_start3A, %multiple_of3A] : memref<50x16384xi32, #tpu.memory_space<hbm>> -> memref<50x512xi32, #tpu.memory_space<hbm>>
      %dma_start3A_28 = arith.constant 0 : i32
      %dma_start3A_29 = tpu.memref_slice %arg3[%dma_start3A_28, %multiple_of3A] : memref<50x16384xi32, #tpu.memory_space<hbm>> -> memref<50x512xi32, #tpu.memory_space<hbm>>
      tpu.enqueue_dma source(%dma_start3A_29 : memref<50x512xi32, #tpu.memory_space<hbm>>) target(%arg6 : memref<50x512xi32, #tpu.memory_space<vmem>>) target_semaphore(%run_scoped3A : memref<!tpu.dma_semaphore, #tpu.memory_space<semaphore_mem>>)
      %dma_wait3A_30 = arith.constant 0 : i32
      %dma_wait3A_31 = tpu.memref_slice %arg3[%dma_wait3A_30, %multiple_of3A] : memref<50x16384xi32, #tpu.memory_space<hbm>> -> memref<50x512xi32, #tpu.memory_space<hbm>>
      %dma_wait3A_32 = arith.constant 0 : i32
      %dma_wait3A_33 = tpu.memref_slice %arg3[%dma_wait3A_32, %multiple_of3A] : memref<50x16384xi32, #tpu.memory_space<hbm>> -> memref<50x512xi32, #tpu.memory_space<hbm>>
      tpu.wait_dma2 semaphore(%run_scoped3A : memref<!tpu.dma_semaphore, #tpu.memory_space<semaphore_mem>>) src(%dma_wait3A_33 : memref<50x512xi32, #tpu.memory_space<hbm>>) dst(%arg6 : memref<50x512xi32, #tpu.memory_space<vmem>>)
      tpu.yield
    }) : () -> ()
    %iota3A = tpu.iota {dimensions = array<i32: 0>} : vector<16xi32>
    %scan3A = arith.constant 0 : i32
    %scan3A_3 = arith.constant 0 : i32
    %scan3A_4 = arith.constant 50 : i32
    %scan3A_5 = arith.addi %scan3A_3, %scan3A_4 : i32
    %scan3A_6 = arith.constant 1 : i32
    scf.for %scan3A_27 = %scan3A_3 to %scan3A_5 step %scan3A_6  : i32 {
      %gt3A = arith.constant 0 : i32
      %gt3A_28 = arith.cmpi sgt, %scan3A_27, %gt3A : i32
      %convert_element_type3A = arith.extui %gt3A_28 : i1 to i32
      %cond3A = arith.constant 0 : i32
      %cond3A_29 = arith.cmpi ne, %convert_element_type3A, %cond3A : i32
      scf.if %cond3A_29 {
        %sub3A = arith.constant 1 : i32
        %sub3A_280 = arith.subi %scan3A_27, %sub3A : i32
        %add3A_281 = arith.constant 0 : i32
        %add3A_282 = arith.addi %multiple_of3A, %add3A_281 : i32
        %multiple_of3A_283 = tpu.assume_multiple %add3A_282, 256 : i32
        %dma_wait3A_284 = arith.constant 0 : i32
        %dma_wait3A_285 = tpu.memref_slice %arg4[%sub3A_280, %dma_wait3A_284, %multiple_of3A_283] : memref<50x96x16384xf32, #tpu.memory_space<hbm>> -> memref<1x96x256xf32, #tpu.memory_space<hbm>>
        %dma_wait3A_286 = tpu.memref_squeeze %dma_wait3A_285 : memref<1x96x256xf32, #tpu.memory_space<hbm>> -> memref<96x256xf32, #tpu.memory_space<hbm>>
        %dma_wait3A_287 = arith.constant 0 : i32
        %dma_wait3A_288 = tpu.memref_slice %arg4[%sub3A_280, %dma_wait3A_287, %multiple_of3A_283] : memref<50x96x16384xf32, #tpu.memory_space<hbm>> -> memref<1x96x256xf32, #tpu.memory_space<hbm>>
        %dma_wait3A_289 = tpu.memref_squeeze %dma_wait3A_288 : memref<1x96x256xf32, #tpu.memory_space<hbm>> -> memref<96x256xf32, #tpu.memory_space<hbm>>
        tpu.wait_dma2 semaphore(%arg9 : memref<!tpu.dma_semaphore, #tpu.memory_space<semaphore_mem>>) src(%arg7 : memref<96x256xf32, #tpu.memory_space<vmem>>) dst(%dma_wait3A_289 : memref<96x256xf32, #tpu.memory_space<hbm>>)
      } else {
      }
      %get3A = arith.index_cast %scan3A_27 : i32 to index
      %get3A_30 = arith.constant 0 : index
      %get3A_31 = tpu.vector_load %arg6[%get3A, %get3A_30] {strides = array<i32>} : memref<50x512xi32, #tpu.memory_space<vmem>>, vector<16xi32>,
      %mul3A_32 = arith.constant 16 : i32
      %mul3A_33 = vector.broadcast %mul3A_32 : i32 to vector<16xi32>
      %mul3A_34 = arith.muli %get3A_31, %mul3A_33 : vector<16xi32>
      %add3A_35 = arith.addi %mul3A_34, %iota3A : vector<16xi32>
      %get3A_36 = arith.index_cast %scan3A_27 : i32 to index
      %get3A_37 = arith.constant 16 : index
      %get3A_38 = tpu.vector_load %arg6[%get3A_36, %get3A_37] {strides = array<i32>} : memref<50x512xi32, #tpu.memory_space<vmem>>, vector<16xi32>,
      %mul3A_39 = arith.constant 16 : i32
      %mul3A_40 = vector.broadcast %mul3A_39 : i32 to vector<16xi32>
      %mul3A_41 = arith.muli %get3A_38, %mul3A_40 : vector<16xi32>
      %add3A_42 = arith.addi %mul3A_41, %iota3A : vector<16xi32>
      %get3A_43 = arith.index_cast %scan3A_27 : i32 to index
      %get3A_44 = arith.constant 32 : index
      %get3A_45 = tpu.vector_load %arg6[%get3A_43, %get3A_44] {strides = array<i32>} : memref<50x512xi32, #tpu.memory_space<vmem>>, vector<16xi32>,
      %mul3A_46 = arith.constant 16 : i32
      %mul3A_47 = vector.broadcast %mul3A_46 : i32 to vector<16xi32>
      %mul3A_48 = arith.muli %get3A_45, %mul3A_47 : vector<16xi32>
      %add3A_49 = arith.addi %mul3A_48, %iota3A : vector<16xi32>
      %get3A_50 = arith.index_cast %scan3A_27 : i32 to index
      %get3A_51 = arith.constant 48 : index
      %get3A_52 = tpu.vector_load %arg6[%get3A_50, %get3A_51] {strides = array<i32>} : memref<50x512xi32, #tpu.memory_space<vmem>>, vector<16xi32>,
      %mul3A_53 = arith.constant 16 : i32
      %mul3A_54 = vector.broadcast %mul3A_53 : i32 to vector<16xi32>
      %mul3A_55 = arith.muli %get3A_52, %mul3A_54 : vector<16xi32>
      %add3A_56 = arith.addi %mul3A_55, %iota3A : vector<16xi32>
      %get3A_57 = arith.index_cast %scan3A_27 : i32 to index
      %get3A_58 = arith.constant 64 : index
      %get3A_59 = tpu.vector_load %arg6[%get3A_57, %get3A_58] {strides = array<i32>} : memref<50x512xi32, #tpu.memory_space<vmem>>, vector<16xi32>,
      %mul3A_60 = arith.constant 16 : i32
      %mul3A_61 = vector.broadcast %mul3A_60 : i32 to vector<16xi32>
      %mul3A_62 = arith.muli %get3A_59, %mul3A_61 : vector<16xi32>
      %add3A_63 = arith.addi %mul3A_62, %iota3A : vector<16xi32>
      %get3A_64 = arith.index_cast %scan3A_27 : i32 to index
      %get3A_65 = arith.constant 80 : index
      %get3A_66 = tpu.vector_load %arg6[%get3A_64, %get3A_65] {strides = array<i32>} : memref<50x512xi32, #tpu.memory_space<vmem>>, vector<16xi32>,
      %mul3A_67 = arith.constant 16 : i32
      %mul3A_68 = vector.broadcast %mul3A_67 : i32 to vector<16xi32>
      %mul3A_69 = arith.muli %get3A_66, %mul3A_68 : vector<16xi32>
      %add3A_70 = arith.addi %mul3A_69, %iota3A : vector<16xi32>
      %get3A_71 = arith.index_cast %scan3A_27 : i32 to index
      %get3A_72 = arith.constant 96 : index
      %get3A_73 = tpu.vector_load %arg6[%get3A_71, %get3A_72] {strides = array<i32>} : memref<50x512xi32, #tpu.memory_space<vmem>>, vector<16xi32>,
      %mul3A_74 = arith.constant 16 : i32
      %mul3A_75 = vector.broadcast %mul3A_74 : i32 to vector<16xi32>
      %mul3A_76 = arith.muli %get3A_73, %mul3A_75 : vector<16xi32>
      %add3A_77 = arith.addi %mul3A_76, %iota3A : vector<16xi32>
      %get3A_78 = arith.index_cast %scan3A_27 : i32 to index
      %get3A_79 = arith.constant 112 : index
      %get3A_80 = tpu.vector_load %arg6[%get3A_78, %get3A_79] {strides = array<i32>} : memref<50x512xi32, #tpu.memory_space<vmem>>, vector<16xi32>,
      %mul3A_81 = arith.constant 16 : i32
      %mul3A_82 = vector.broadcast %mul3A_81 : i32 to vector<16xi32>
      %mul3A_83 = arith.muli %get3A_80, %mul3A_82 : vector<16xi32>
      %add3A_84 = arith.addi %mul3A_83, %iota3A : vector<16xi32>
      %get3A_85 = arith.index_cast %scan3A_27 : i32 to index
      %get3A_86 = arith.constant 128 : index
      %get3A_87 = tpu.vector_load %arg6[%get3A_85, %get3A_86] {strides = array<i32>} : memref<50x512xi32, #tpu.memory_space<vmem>>, vector<16xi32>,
      %mul3A_88 = arith.constant 16 : i32
      %mul3A_89 = vector.broadcast %mul3A_88 : i32 to vector<16xi32>
      %mul3A_90 = arith.muli %get3A_87, %mul3A_89 : vector<16xi32>
      %add3A_91 = arith.addi %mul3A_90, %iota3A : vector<16xi32>
      %get3A_92 = arith.index_cast %scan3A_27 : i32 to index
      %get3A_93 = arith.constant 144 : index
      %get3A_94 = tpu.vector_load %arg6[%get3A_92, %get3A_93] {strides = array<i32>} : memref<50x512xi32, #tpu.memory_space<vmem>>, vector<16xi32>,
      %mul3A_95 = arith.constant 16 : i32
      %mul3A_96 = vector.broadcast %mul3A_95 : i32 to vector<16xi32>
      %mul3A_97 = arith.muli %get3A_94, %mul3A_96 : vector<16xi32>
      %add3A_98 = arith.addi %mul3A_97, %iota3A : vector<16xi32>
      %get3A_99 = arith.index_cast %scan3A_27 : i32 to index
      %get3A_100 = arith.constant 160 : index
      %get3A_101 = tpu.vector_load %arg6[%get3A_99, %get3A_100] {strides = array<i32>} : memref<50x512xi32, #tpu.memory_space<vmem>>, vector<16xi32>,
      %mul3A_102 = arith.constant 16 : i32
      %mul3A_103 = vector.broadcast %mul3A_102 : i32 to vector<16xi32>
      %mul3A_104 = arith.muli %get3A_101, %mul3A_103 : vector<16xi32>
      %add3A_105 = arith.addi %mul3A_104, %iota3A : vector<16xi32>
      %get3A_106 = arith.index_cast %scan3A_27 : i32 to index
      %get3A_107 = arith.constant 176 : index
      %get3A_108 = tpu.vector_load %arg6[%get3A_106, %get3A_107] {strides = array<i32>} : memref<50x512xi32, #tpu.memory_space<vmem>>, vector<16xi32>,
      %mul3A_109 = arith.constant 16 : i32
      %mul3A_110 = vector.broadcast %mul3A_109 : i32 to vector<16xi32>
      %mul3A_111 = arith.muli %get3A_108, %mul3A_110 : vector<16xi32>
      %add3A_112 = arith.addi %mul3A_111, %iota3A : vector<16xi32>
      %get3A_113 = arith.index_cast %scan3A_27 : i32 to index
      %get3A_114 = arith.constant 192 : index
      %get3A_115 = tpu.vector_load %arg6[%get3A_113, %get3A_114] {strides = array<i32>} : memref<50x512xi32, #tpu.memory_space<vmem>>, vector<16xi32>,
      %mul3A_116 = arith.constant 16 : i32
      %mul3A_117 = vector.broadcast %mul3A_116 : i32 to vector<16xi32>
      %mul3A_118 = arith.muli %get3A_115, %mul3A_117 : vector<16xi32>
      %add3A_119 = arith.addi %mul3A_118, %iota3A : vector<16xi32>
      %get3A_120 = arith.index_cast %scan3A_27 : i32 to index
      %get3A_121 = arith.constant 208 : index
      %get3A_122 = tpu.vector_load %arg6[%get3A_120, %get3A_121] {strides = array<i32>} : memref<50x512xi32, #tpu.memory_space<vmem>>, vector<16xi32>,
      %mul3A_123 = arith.constant 16 : i32
      %mul3A_124 = vector.broadcast %mul3A_123 : i32 to vector<16xi32>
      %mul3A_125 = arith.muli %get3A_122, %mul3A_124 : vector<16xi32>
      %add3A_126 = arith.addi %mul3A_125, %iota3A : vector<16xi32>
      %get3A_127 = arith.index_cast %scan3A_27 : i32 to index
      %get3A_128 = arith.constant 224 : index
      %get3A_129 = tpu.vector_load %arg6[%get3A_127, %get3A_128] {strides = array<i32>} : memref<50x512xi32, #tpu.memory_space<vmem>>, vector<16xi32>,
      %mul3A_130 = arith.constant 16 : i32
      %mul3A_131 = vector.broadcast %mul3A_130 : i32 to vector<16xi32>
      %mul3A_132 = arith.muli %get3A_129, %mul3A_131 : vector<16xi32>
      %add3A_133 = arith.addi %mul3A_132, %iota3A : vector<16xi32>
      %get3A_134 = arith.index_cast %scan3A_27 : i32 to index
      %get3A_135 = arith.constant 240 : index
      %get3A_136 = tpu.vector_load %arg6[%get3A_134, %get3A_135] {strides = array<i32>} : memref<50x512xi32, #tpu.memory_space<vmem>>, vector<16xi32>,
      %mul3A_137 = arith.constant 16 : i32
      %mul3A_138 = vector.broadcast %mul3A_137 : i32 to vector<16xi32>
      %mul3A_139 = arith.muli %get3A_136, %mul3A_138 : vector<16xi32>
      %add3A_140 = arith.addi %mul3A_139, %iota3A : vector<16xi32>
      %parallel_loop3A = arith.constant 0 : i32
      %parallel_loop3A_141 = arith.constant 96 : i32
      %parallel_loop3A_142 = arith.constant 1 : i32
      scf.for %parallel_loop3A_280 = %parallel_loop3A to %parallel_loop3A_141 step %parallel_loop3A_142  : i32 {
        %parallel_loop3A_281 = arith.constant 256 : i32
        %parallel_loop3A_282 = arith.muli %parallel_loop3A_280, %parallel_loop3A_281 : i32
        %parallel_loop3A_283 = vector.broadcast %parallel_loop3A_282 : i32 to vector<16xi32>
        %parallel_loop3A_284 = arith.addi %add3A_35, %parallel_loop3A_283 : vector<16xi32>
        %parallel_loop3A_285 = tpu.vector_load_idx %arg5[%parallel_loop3A_284] : memref<24576xf32, #tpu.memory_space<vmem>>[vector<16xi32>], vector<16xf32>,
        %parallel_loop3A_286 = arith.index_cast %parallel_loop3A_280 : i32 to index
        %parallel_loop3A_287 = arith.constant 0 : index
        %parallel_loop3A_288 = tpu.vector_load %arg7[%parallel_loop3A_286, %parallel_loop3A_287] {strides = array<i32>} : memref<96x256xf32, #tpu.memory_space<vmem>>, vector<16xf32>,
        tpu.vector_store %arg7[%parallel_loop3A_286, %parallel_loop3A_287], %parallel_loop3A_285 {strides = array<i32>} : memref<96x256xf32, #tpu.memory_space<vmem>>, vector<16xf32>,
        %parallel_loop3A_289 = vector.broadcast %parallel_loop3A_282 : i32 to vector<16xi32>
        %parallel_loop3A_290 = arith.addi %add3A_42, %parallel_loop3A_289 : vector<16xi32>
        %parallel_loop3A_291 = tpu.vector_load_idx %arg5[%parallel_loop3A_290] : memref<24576xf32, #tpu.memory_space<vmem>>[vector<16xi32>], vector<16xf32>,
        %parallel_loop3A_292 = arith.index_cast %parallel_loop3A_280 : i32 to index
        %parallel_loop3A_293 = arith.constant 16 : index
        %parallel_loop3A_294 = tpu.vector_load %arg7[%parallel_loop3A_292, %parallel_loop3A_293] {strides = array<i32>} : memref<96x256xf32, #tpu.memory_space<vmem>>, vector<16xf32>,
        tpu.vector_store %arg7[%parallel_loop3A_292, %parallel_loop3A_293], %parallel_loop3A_291 {strides = array<i32>} : memref<96x256xf32, #tpu.memory_space<vmem>>, vector<16xf32>,
        %parallel_loop3A_295 = vector.broadcast %parallel_loop3A_282 : i32 to vector<16xi32>
        %parallel_loop3A_296 = arith.addi %add3A_49, %parallel_loop3A_295 : vector<16xi32>
        %parallel_loop3A_297 = tpu.vector_load_idx %arg5[%parallel_loop3A_296] : memref<24576xf32, #tpu.memory_space<vmem>>[vector<16xi32>], vector<16xf32>,
        %parallel_loop3A_298 = arith.index_cast %parallel_loop3A_280 : i32 to index
        %parallel_loop3A_299 = arith.constant 32 : index
        %parallel_loop3A_300 = tpu.vector_load %arg7[%parallel_loop3A_298, %parallel_loop3A_299] {strides = array<i32>} : memref<96x256xf32, #tpu.memory_space<vmem>>, vector<16xf32>,
        tpu.vector_store %arg7[%parallel_loop3A_298, %parallel_loop3A_299], %parallel_loop3A_297 {strides = array<i32>} : memref<96x256xf32, #tpu.memory_space<vmem>>, vector<16xf32>,
        %parallel_loop3A_301 = vector.broadcast %parallel_loop3A_282 : i32 to vector<16xi32>
        %parallel_loop3A_302 = arith.addi %add3A_56, %parallel_loop3A_301 : vector<16xi32>
        %parallel_loop3A_303 = tpu.vector_load_idx %arg5[%parallel_loop3A_302] : memref<24576xf32, #tpu.memory_space<vmem>>[vector<16xi32>], vector<16xf32>,
        %parallel_loop3A_304 = arith.index_cast %parallel_loop3A_280 : i32 to index
        %parallel_loop3A_305 = arith.constant 48 : index
        %parallel_loop3A_306 = tpu.vector_load %arg7[%parallel_loop3A_304, %parallel_loop3A_305] {strides = array<i32>} : memref<96x256xf32, #tpu.memory_space<vmem>>, vector<16xf32>,
        tpu.vector_store %arg7[%parallel_loop3A_304, %parallel_loop3A_305], %parallel_loop3A_303 {strides = array<i32>} : memref<96x256xf32, #tpu.memory_space<vmem>>, vector<16xf32>,
        %parallel_loop3A_307 = vector.broadcast %parallel_loop3A_282 : i32 to vector<16xi32>
        %parallel_loop3A_308 = arith.addi %add3A_63, %parallel_loop3A_307 : vector<16xi32>
        %parallel_loop3A_309 = tpu.vector_load_idx %arg5[%parallel_loop3A_308] : memref<24576xf32, #tpu.memory_space<vmem>>[vector<16xi32>], vector<16xf32>,
        %parallel_loop3A_310 = arith.index_cast %parallel_loop3A_280 : i32 to index
        %parallel_loop3A_311 = arith.constant 64 : index
        %parallel_loop3A_312 = tpu.vector_load %arg7[%parallel_loop3A_310, %parallel_loop3A_311] {strides = array<i32>} : memref<96x256xf32, #tpu.memory_space<vmem>>, vector<16xf32>,
        tpu.vector_store %arg7[%parallel_loop3A_310, %parallel_loop3A_311], %parallel_loop3A_309 {strides = array<i32>} : memref<96x256xf32, #tpu.memory_space<vmem>>, vector<16xf32>,
        %parallel_loop3A_313 = vector.broadcast %parallel_loop3A_282 : i32 to vector<16xi32>
        %parallel_loop3A_314 = arith.addi %add3A_70, %parallel_loop3A_313 : vector<16xi32>
        %parallel_loop3A_315 = tpu.vector_load_idx %arg5[%parallel_loop3A_314] : memref<24576xf32, #tpu.memory_space<vmem>>[vector<16xi32>], vector<16xf32>,
        %parallel_loop3A_316 = arith.index_cast %parallel_loop3A_280 : i32 to index
        %parallel_loop3A_317 = arith.constant 80 : index
        %parallel_loop3A_318 = tpu.vector_load %arg7[%parallel_loop3A_316, %parallel_loop3A_317] {strides = array<i32>} : memref<96x256xf32, #tpu.memory_space<vmem>>, vector<16xf32>,
        tpu.vector_store %arg7[%parallel_loop3A_316, %parallel_loop3A_317], %parallel_loop3A_315 {strides = array<i32>} : memref<96x256xf32, #tpu.memory_space<vmem>>, vector<16xf32>,
        %parallel_loop3A_319 = vector.broadcast %parallel_loop3A_282 : i32 to vector<16xi32>
        %parallel_loop3A_320 = arith.addi %add3A_77, %parallel_loop3A_319 : vector<16xi32>
        %parallel_loop3A_321 = tpu.vector_load_idx %arg5[%parallel_loop3A_320] : memref<24576xf32, #tpu.memory_space<vmem>>[vector<16xi32>], vector<16xf32>,
        %parallel_loop3A_322 = arith.index_cast %parallel_loop3A_280 : i32 to index
        %parallel_loop3A_323 = arith.constant 96 : index
        %parallel_loop3A_324 = tpu.vector_load %arg7[%parallel_loop3A_322, %parallel_loop3A_323] {strides = array<i32>} : memref<96x256xf32, #tpu.memory_space<vmem>>, vector<16xf32>,
        tpu.vector_store %arg7[%parallel_loop3A_322, %parallel_loop3A_323], %parallel_loop3A_321 {strides = array<i32>} : memref<96x256xf32, #tpu.memory_space<vmem>>, vector<16xf32>,
        %parallel_loop3A_325 = vector.broadcast %parallel_loop3A_282 : i32 to vector<16xi32>
        %parallel_loop3A_326 = arith.addi %add3A_84, %parallel_loop3A_325 : vector<16xi32>
        %parallel_loop3A_327 = tpu.vector_load_idx %arg5[%parallel_loop3A_326] : memref<24576xf32, #tpu.memory_space<vmem>>[vector<16xi32>], vector<16xf32>,
        %parallel_loop3A_328 = arith.index_cast %parallel_loop3A_280 : i32 to index
        %parallel_loop3A_329 = arith.constant 112 : index
        %parallel_loop3A_330 = tpu.vector_load %arg7[%parallel_loop3A_328, %parallel_loop3A_329] {strides = array<i32>} : memref<96x256xf32, #tpu.memory_space<vmem>>, vector<16xf32>,
        tpu.vector_store %arg7[%parallel_loop3A_328, %parallel_loop3A_329], %parallel_loop3A_327 {strides = array<i32>} : memref<96x256xf32, #tpu.memory_space<vmem>>, vector<16xf32>,
        %parallel_loop3A_331 = vector.broadcast %parallel_loop3A_282 : i32 to vector<16xi32>
        %parallel_loop3A_332 = arith.addi %add3A_91, %parallel_loop3A_331 : vector<16xi32>
        %parallel_loop3A_333 = tpu.vector_load_idx %arg5[%parallel_loop3A_332] : memref<24576xf32, #tpu.memory_space<vmem>>[vector<16xi32>], vector<16xf32>,
        %parallel_loop3A_334 = arith.index_cast %parallel_loop3A_280 : i32 to index
        %parallel_loop3A_335 = arith.constant 128 : index
        %parallel_loop3A_336 = tpu.vector_load %arg7[%parallel_loop3A_334, %parallel_loop3A_335] {strides = array<i32>} : memref<96x256xf32, #tpu.memory_space<vmem>>, vector<16xf32>,
        tpu.vector_store %arg7[%parallel_loop3A_334, %parallel_loop3A_335], %parallel_loop3A_333 {strides = array<i32>} : memref<96x256xf32, #tpu.memory_space<vmem>>, vector<16xf32>,
        %parallel_loop3A_337 = vector.broadcast %parallel_loop3A_282 : i32 to vector<16xi32>
        %parallel_loop3A_338 = arith.addi %add3A_98, %parallel_loop3A_337 : vector<16xi32>
        %parallel_loop3A_339 = tpu.vector_load_idx %arg5[%parallel_loop3A_338] : memref<24576xf32, #tpu.memory_space<vmem>>[vector<16xi32>], vector<16xf32>,
        %parallel_loop3A_340 = arith.index_cast %parallel_loop3A_280 : i32 to index
        %parallel_loop3A_341 = arith.constant 144 : index
        %parallel_loop3A_342 = tpu.vector_load %arg7[%parallel_loop3A_340, %parallel_loop3A_341] {strides = array<i32>} : memref<96x256xf32, #tpu.memory_space<vmem>>, vector<16xf32>,
        tpu.vector_store %arg7[%parallel_loop3A_340, %parallel_loop3A_341], %parallel_loop3A_339 {strides = array<i32>} : memref<96x256xf32, #tpu.memory_space<vmem>>, vector<16xf32>,
        %parallel_loop3A_343 = vector.broadcast %parallel_loop3A_282 : i32 to vector<16xi32>
        %parallel_loop3A_344 = arith.addi %add3A_105, %parallel_loop3A_343 : vector<16xi32>
        %parallel_loop3A_345 = tpu.vector_load_idx %arg5[%parallel_loop3A_344] : memref<24576xf32, #tpu.memory_space<vmem>>[vector<16xi32>], vector<16xf32>,
        %parallel_loop3A_346 = arith.index_cast %parallel_loop3A_280 : i32 to index
        %parallel_loop3A_347 = arith.constant 160 : index
        %parallel_loop3A_348 = tpu.vector_load %arg7[%parallel_loop3A_346, %parallel_loop3A_347] {strides = array<i32>} : memref<96x256xf32, #tpu.memory_space<vmem>>, vector<16xf32>,
        tpu.vector_store %arg7[%parallel_loop3A_346, %parallel_loop3A_347], %parallel_loop3A_345 {strides = array<i32>} : memref<96x256xf32, #tpu.memory_space<vmem>>, vector<16xf32>,
        %parallel_loop3A_349 = vector.broadcast %parallel_loop3A_282 : i32 to vector<16xi32>
        %parallel_loop3A_350 = arith.addi %add3A_112, %parallel_loop3A_349 : vector<16xi32>
        %parallel_loop3A_351 = tpu.vector_load_idx %arg5[%parallel_loop3A_350] : memref<24576xf32, #tpu.memory_space<vmem>>[vector<16xi32>], vector<16xf32>,
        %parallel_loop3A_352 = arith.index_cast %parallel_loop3A_280 : i32 to index
        %parallel_loop3A_353 = arith.constant 176 : index
        %parallel_loop3A_354 = tpu.vector_load %arg7[%parallel_loop3A_352, %parallel_loop3A_353] {strides = array<i32>} : memref<96x256xf32, #tpu.memory_space<vmem>>, vector<16xf32>,
        tpu.vector_store %arg7[%parallel_loop3A_352, %parallel_loop3A_353], %parallel_loop3A_351 {strides = array<i32>} : memref<96x256xf32, #tpu.memory_space<vmem>>, vector<16xf32>,
        %parallel_loop3A_355 = vector.broadcast %parallel_loop3A_282 : i32 to vector<16xi32>
        %parallel_loop3A_356 = arith.addi %add3A_119, %parallel_loop3A_355 : vector<16xi32>
        %parallel_loop3A_357 = tpu.vector_load_idx %arg5[%parallel_loop3A_356] : memref<24576xf32, #tpu.memory_space<vmem>>[vector<16xi32>], vector<16xf32>,
        %parallel_loop3A_358 = arith.index_cast %parallel_loop3A_280 : i32 to index
        %parallel_loop3A_359 = arith.constant 192 : index
        %parallel_loop3A_360 = tpu.vector_load %arg7[%parallel_loop3A_358, %parallel_loop3A_359] {strides = array<i32>} : memref<96x256xf32, #tpu.memory_space<vmem>>, vector<16xf32>,
        tpu.vector_store %arg7[%parallel_loop3A_358, %parallel_loop3A_359], %parallel_loop3A_357 {strides = array<i32>} : memref<96x256xf32, #tpu.memory_space<vmem>>, vector<16xf32>,
        %parallel_loop3A_361 = vector.broadcast %parallel_loop3A_282 : i32 to vector<16xi32>
        %parallel_loop3A_362 = arith.addi %add3A_126, %parallel_loop3A_361 : vector<16xi32>
        %parallel_loop3A_363 = tpu.vector_load_idx %arg5[%parallel_loop3A_362] : memref<24576xf32, #tpu.memory_space<vmem>>[vector<16xi32>], vector<16xf32>,
        %parallel_loop3A_364 = arith.index_cast %parallel_loop3A_280 : i32 to index
        %parallel_loop3A_365 = arith.constant 208 : index
        %parallel_loop3A_366 = tpu.vector_load %arg7[%parallel_loop3A_364, %parallel_loop3A_365] {strides = array<i32>} : memref<96x256xf32, #tpu.memory_space<vmem>>, vector<16xf32>,
        tpu.vector_store %arg7[%parallel_loop3A_364, %parallel_loop3A_365], %parallel_loop3A_363 {strides = array<i32>} : memref<96x256xf32, #tpu.memory_space<vmem>>, vector<16xf32>,
        %parallel_loop3A_367 = vector.broadcast %parallel_loop3A_282 : i32 to vector<16xi32>
        %parallel_loop3A_368 = arith.addi %add3A_133, %parallel_loop3A_367 : vector<16xi32>
        %parallel_loop3A_369 = tpu.vector_load_idx %arg5[%parallel_loop3A_368] : memref<24576xf32, #tpu.memory_space<vmem>>[vector<16xi32>], vector<16xf32>,
        %parallel_loop3A_370 = arith.index_cast %parallel_loop3A_280 : i32 to index
        %parallel_loop3A_371 = arith.constant 224 : index
        %parallel_loop3A_372 = tpu.vector_load %arg7[%parallel_loop3A_370, %parallel_loop3A_371] {strides = array<i32>} : memref<96x256xf32, #tpu.memory_space<vmem>>, vector<16xf32>,
        tpu.vector_store %arg7[%parallel_loop3A_370, %parallel_loop3A_371], %parallel_loop3A_369 {strides = array<i32>} : memref<96x256xf32, #tpu.memory_space<vmem>>, vector<16xf32>,
        %parallel_loop3A_373 = vector.broadcast %parallel_loop3A_282 : i32 to vector<16xi32>
        %parallel_loop3A_374 = arith.addi %add3A_140, %parallel_loop3A_373 : vector<16xi32>
        %parallel_loop3A_375 = tpu.vector_load_idx %arg5[%parallel_loop3A_374] : memref<24576xf32, #tpu.memory_space<vmem>>[vector<16xi32>], vector<16xf32>,
        %parallel_loop3A_376 = arith.index_cast %parallel_loop3A_280 : i32 to index
        %parallel_loop3A_377 = arith.constant 240 : index
        %parallel_loop3A_378 = tpu.vector_load %arg7[%parallel_loop3A_376, %parallel_loop3A_377] {strides = array<i32>} : memref<96x256xf32, #tpu.memory_space<vmem>>, vector<16xf32>,
        tpu.vector_store %arg7[%parallel_loop3A_376, %parallel_loop3A_377], %parallel_loop3A_375 {strides = array<i32>} : memref<96x256xf32, #tpu.memory_space<vmem>>, vector<16xf32>,
      } {sc.loop_unroll_factor = 1 : i64, sc.parallel_access}
      %add3A_143 = arith.constant 0 : i32
      %add3A_144 = arith.addi %multiple_of3A, %add3A_143 : i32
      %multiple_of3A_145 = tpu.assume_multiple %add3A_144, 256 : i32
      %dma_start3A = arith.constant 0 : i32
      %dma_start3A_146 = tpu.memref_slice %arg4[%scan3A_27, %dma_start3A, %multiple_of3A_145] : memref<50x96x16384xf32, #tpu.memory_space<hbm>> -> memref<1x96x256xf32, #tpu.memory_space<hbm>>
      %dma_start3A_147 = tpu.memref_squeeze %dma_start3A_146 : memref<1x96x256xf32, #tpu.memory_space<hbm>> -> memref<96x256xf32, #tpu.memory_space<hbm>>
      %dma_start3A_148 = arith.constant 0 : i32
      %dma_start3A_149 = tpu.memref_slice %arg4[%scan3A_27, %dma_start3A_148, %multiple_of3A_145] : memref<50x96x16384xf32, #tpu.memory_space<hbm>> -> memref<1x96x256xf32, #tpu.memory_space<hbm>>
      %dma_start3A_150 = tpu.memref_squeeze %dma_start3A_149 : memref<1x96x256xf32, #tpu.memory_space<hbm>> -> memref<96x256xf32, #tpu.memory_space<hbm>>
      tpu.enqueue_dma source(%arg7 : memref<96x256xf32, #tpu.memory_space<vmem>>) target(%dma_start3A_150 : memref<96x256xf32, #tpu.memory_space<hbm>>) target_semaphore(%arg9 : memref<!tpu.dma_semaphore, #tpu.memory_space<semaphore_mem>>)
      %gt3A_151 = arith.constant 0 : i32
      %gt3A_152 = arith.cmpi sgt, %scan3A_27, %gt3A_151 : i32
      %convert_element_type3A_153 = arith.extui %gt3A_152 : i1 to i32
      %cond3A_154 = arith.constant 0 : i32
      %cond3A_155 = arith.cmpi ne, %convert_element_type3A_153, %cond3A_154 : i32
      scf.if %cond3A_155 {
        %sub3A = arith.constant 1 : i32
        %sub3A_280 = arith.subi %scan3A_27, %sub3A : i32
        %add3A_281 = arith.constant 256 : i32
        %add3A_282 = arith.addi %multiple_of3A, %add3A_281 : i32
        %multiple_of3A_283 = tpu.assume_multiple %add3A_282, 256 : i32
        %dma_wait3A_284 = arith.constant 0 : i32
        %dma_wait3A_285 = tpu.memref_slice %arg4[%sub3A_280, %dma_wait3A_284, %multiple_of3A_283] : memref<50x96x16384xf32, #tpu.memory_space<hbm>> -> memref<1x96x256xf32, #tpu.memory_space<hbm>>
        %dma_wait3A_286 = tpu.memref_squeeze %dma_wait3A_285 : memref<1x96x256xf32, #tpu.memory_space<hbm>> -> memref<96x256xf32, #tpu.memory_space<hbm>>
        %dma_wait3A_287 = arith.constant 0 : i32
        %dma_wait3A_288 = tpu.memref_slice %arg4[%sub3A_280, %dma_wait3A_287, %multiple_of3A_283] : memref<50x96x16384xf32, #tpu.memory_space<hbm>> -> memref<1x96x256xf32, #tpu.memory_space<hbm>>
        %dma_wait3A_289 = tpu.memref_squeeze %dma_wait3A_288 : memref<1x96x256xf32, #tpu.memory_space<hbm>> -> memref<96x256xf32, #tpu.memory_space<hbm>>
        tpu.wait_dma2 semaphore(%arg10 : memref<!tpu.dma_semaphore, #tpu.memory_space<semaphore_mem>>) src(%arg8 : memref<96x256xf32, #tpu.memory_space<vmem>>) dst(%dma_wait3A_289 : memref<96x256xf32, #tpu.memory_space<hbm>>)
      } else {
      }
      %get3A_156 = arith.index_cast %scan3A_27 : i32 to index
      %get3A_157 = arith.constant 256 : index
      %get3A_158 = tpu.vector_load %arg6[%get3A_156, %get3A_157] {strides = array<i32>} : memref<50x512xi32, #tpu.memory_space<vmem>>, vector<16xi32>,
      %mul3A_159 = arith.constant 16 : i32
      %mul3A_160 = vector.broadcast %mul3A_159 : i32 to vector<16xi32>
      %mul3A_161 = arith.muli %get3A_158, %mul3A_160 : vector<16xi32>
      %add3A_162 = arith.addi %mul3A_161, %iota3A : vector<16xi32>
      %get3A_163 = arith.index_cast %scan3A_27 : i32 to index
      %get3A_164 = arith.constant 272 : index
      %get3A_165 = tpu.vector_load %arg6[%get3A_163, %get3A_164] {strides = array<i32>} : memref<50x512xi32, #tpu.memory_space<vmem>>, vector<16xi32>,
      %mul3A_166 = arith.constant 16 : i32
      %mul3A_167 = vector.broadcast %mul3A_166 : i32 to vector<16xi32>
      %mul3A_168 = arith.muli %get3A_165, %mul3A_167 : vector<16xi32>
      %add3A_169 = arith.addi %mul3A_168, %iota3A : vector<16xi32>
      %get3A_170 = arith.index_cast %scan3A_27 : i32 to index
      %get3A_171 = arith.constant 288 : index
      %get3A_172 = tpu.vector_load %arg6[%get3A_170, %get3A_171] {strides = array<i32>} : memref<50x512xi32, #tpu.memory_space<vmem>>, vector<16xi32>,
      %mul3A_173 = arith.constant 16 : i32
      %mul3A_174 = vector.broadcast %mul3A_173 : i32 to vector<16xi32>
      %mul3A_175 = arith.muli %get3A_172, %mul3A_174 : vector<16xi32>
      %add3A_176 = arith.addi %mul3A_175, %iota3A : vector<16xi32>
      %get3A_177 = arith.index_cast %scan3A_27 : i32 to index
      %get3A_178 = arith.constant 304 : index
      %get3A_179 = tpu.vector_load %arg6[%get3A_177, %get3A_178] {strides = array<i32>} : memref<50x512xi32, #tpu.memory_space<vmem>>, vector<16xi32>,
      %mul3A_180 = arith.constant 16 : i32
      %mul3A_181 = vector.broadcast %mul3A_180 : i32 to vector<16xi32>
      %mul3A_182 = arith.muli %get3A_179, %mul3A_181 : vector<16xi32>
      %add3A_183 = arith.addi %mul3A_182, %iota3A : vector<16xi32>
      %get3A_184 = arith.index_cast %scan3A_27 : i32 to index
      %get3A_185 = arith.constant 320 : index
      %get3A_186 = tpu.vector_load %arg6[%get3A_184, %get3A_185] {strides = array<i32>} : memref<50x512xi32, #tpu.memory_space<vmem>>, vector<16xi32>,
      %mul3A_187 = arith.constant 16 : i32
      %mul3A_188 = vector.broadcast %mul3A_187 : i32 to vector<16xi32>
      %mul3A_189 = arith.muli %get3A_186, %mul3A_188 : vector<16xi32>
      %add3A_190 = arith.addi %mul3A_189, %iota3A : vector<16xi32>
      %get3A_191 = arith.index_cast %scan3A_27 : i32 to index
      %get3A_192 = arith.constant 336 : index
      %get3A_193 = tpu.vector_load %arg6[%get3A_191, %get3A_192] {strides = array<i32>} : memref<50x512xi32, #tpu.memory_space<vmem>>, vector<16xi32>,
      %mul3A_194 = arith.constant 16 : i32
      %mul3A_195 = vector.broadcast %mul3A_194 : i32 to vector<16xi32>
      %mul3A_196 = arith.muli %get3A_193, %mul3A_195 : vector<16xi32>
      %add3A_197 = arith.addi %mul3A_196, %iota3A : vector<16xi32>
      %get3A_198 = arith.index_cast %scan3A_27 : i32 to index
      %get3A_199 = arith.constant 352 : index
      %get3A_200 = tpu.vector_load %arg6[%get3A_198, %get3A_199] {strides = array<i32>} : memref<50x512xi32, #tpu.memory_space<vmem>>, vector<16xi32>,
      %mul3A_201 = arith.constant 16 : i32
      %mul3A_202 = vector.broadcast %mul3A_201 : i32 to vector<16xi32>
      %mul3A_203 = arith.muli %get3A_200, %mul3A_202 : vector<16xi32>
      %add3A_204 = arith.addi %mul3A_203, %iota3A : vector<16xi32>
      %get3A_205 = arith.index_cast %scan3A_27 : i32 to index
      %get3A_206 = arith.constant 368 : index
      %get3A_207 = tpu.vector_load %arg6[%get3A_205, %get3A_206] {strides = array<i32>} : memref<50x512xi32, #tpu.memory_space<vmem>>, vector<16xi32>,
      %mul3A_208 = arith.constant 16 : i32
      %mul3A_209 = vector.broadcast %mul3A_208 : i32 to vector<16xi32>
      %mul3A_210 = arith.muli %get3A_207, %mul3A_209 : vector<16xi32>
      %add3A_211 = arith.addi %mul3A_210, %iota3A : vector<16xi32>
      %get3A_212 = arith.index_cast %scan3A_27 : i32 to index
      %get3A_213 = arith.constant 384 : index
      %get3A_214 = tpu.vector_load %arg6[%get3A_212, %get3A_213] {strides = array<i32>} : memref<50x512xi32, #tpu.memory_space<vmem>>, vector<16xi32>,
      %mul3A_215 = arith.constant 16 : i32
      %mul3A_216 = vector.broadcast %mul3A_215 : i32 to vector<16xi32>
      %mul3A_217 = arith.muli %get3A_214, %mul3A_216 : vector<16xi32>
      %add3A_218 = arith.addi %mul3A_217, %iota3A : vector<16xi32>
      %get3A_219 = arith.index_cast %scan3A_27 : i32 to index
      %get3A_220 = arith.constant 400 : index
      %get3A_221 = tpu.vector_load %arg6[%get3A_219, %get3A_220] {strides = array<i32>} : memref<50x512xi32, #tpu.memory_space<vmem>>, vector<16xi32>,
      %mul3A_222 = arith.constant 16 : i32
      %mul3A_223 = vector.broadcast %mul3A_222 : i32 to vector<16xi32>
      %mul3A_224 = arith.muli %get3A_221, %mul3A_223 : vector<16xi32>
      %add3A_225 = arith.addi %mul3A_224, %iota3A : vector<16xi32>
      %get3A_226 = arith.index_cast %scan3A_27 : i32 to index
      %get3A_227 = arith.constant 416 : index
      %get3A_228 = tpu.vector_load %arg6[%get3A_226, %get3A_227] {strides = array<i32>} : memref<50x512xi32, #tpu.memory_space<vmem>>, vector<16xi32>,
      %mul3A_229 = arith.constant 16 : i32
      %mul3A_230 = vector.broadcast %mul3A_229 : i32 to vector<16xi32>
      %mul3A_231 = arith.muli %get3A_228, %mul3A_230 : vector<16xi32>
      %add3A_232 = arith.addi %mul3A_231, %iota3A : vector<16xi32>
      %get3A_233 = arith.index_cast %scan3A_27 : i32 to index
      %get3A_234 = arith.constant 432 : index
      %get3A_235 = tpu.vector_load %arg6[%get3A_233, %get3A_234] {strides = array<i32>} : memref<50x512xi32, #tpu.memory_space<vmem>>, vector<16xi32>,
      %mul3A_236 = arith.constant 16 : i32
      %mul3A_237 = vector.broadcast %mul3A_236 : i32 to vector<16xi32>
      %mul3A_238 = arith.muli %get3A_235, %mul3A_237 : vector<16xi32>
      %add3A_239 = arith.addi %mul3A_238, %iota3A : vector<16xi32>
      %get3A_240 = arith.index_cast %scan3A_27 : i32 to index
      %get3A_241 = arith.constant 448 : index
      %get3A_242 = tpu.vector_load %arg6[%get3A_240, %get3A_241] {strides = array<i32>} : memref<50x512xi32, #tpu.memory_space<vmem>>, vector<16xi32>,
      %mul3A_243 = arith.constant 16 : i32
      %mul3A_244 = vector.broadcast %mul3A_243 : i32 to vector<16xi32>
      %mul3A_245 = arith.muli %get3A_242, %mul3A_244 : vector<16xi32>
      %add3A_246 = arith.addi %mul3A_245, %iota3A : vector<16xi32>
      %get3A_247 = arith.index_cast %scan3A_27 : i32 to index
      %get3A_248 = arith.constant 464 : index
      %get3A_249 = tpu.vector_load %arg6[%get3A_247, %get3A_248] {strides = array<i32>} : memref<50x512xi32, #tpu.memory_space<vmem>>, vector<16xi32>,
      %mul3A_250 = arith.constant 16 : i32
      %mul3A_251 = vector.broadcast %mul3A_250 : i32 to vector<16xi32>
      %mul3A_252 = arith.muli %get3A_249, %mul3A_251 : vector<16xi32>
      %add3A_253 = arith.addi %mul3A_252, %iota3A : vector<16xi32>
      %get3A_254 = arith.index_cast %scan3A_27 : i32 to index
      %get3A_255 = arith.constant 480 : index
      %get3A_256 = tpu.vector_load %arg6[%get3A_254, %get3A_255] {strides = array<i32>} : memref<50x512xi32, #tpu.memory_space<vmem>>, vector<16xi32>,
      %mul3A_257 = arith.constant 16 : i32
      %mul3A_258 = vector.broadcast %mul3A_257 : i32 to vector<16xi32>
      %mul3A_259 = arith.muli %get3A_256, %mul3A_258 : vector<16xi32>
      %add3A_260 = arith.addi %mul3A_259, %iota3A : vector<16xi32>
      %get3A_261 = arith.index_cast %scan3A_27 : i32 to index
      %get3A_262 = arith.constant 496 : index
      %get3A_263 = tpu.vector_load %arg6[%get3A_261, %get3A_262] {strides = array<i32>} : memref<50x512xi32, #tpu.memory_space<vmem>>, vector<16xi32>,
      %mul3A_264 = arith.constant 16 : i32
      %mul3A_265 = vector.broadcast %mul3A_264 : i32 to vector<16xi32>
      %mul3A_266 = arith.muli %get3A_263, %mul3A_265 : vector<16xi32>
      %add3A_267 = arith.addi %mul3A_266, %iota3A : vector<16xi32>
      %parallel_loop3A_268 = arith.constant 0 : i32
      %parallel_loop3A_269 = arith.constant 96 : i32
      %parallel_loop3A_270 = arith.constant 1 : i32
      scf.for %parallel_loop3A_280 = %parallel_loop3A_268 to %parallel_loop3A_269 step %parallel_loop3A_270  : i32 {
        %parallel_loop3A_281 = arith.constant 256 : i32
        %parallel_loop3A_282 = arith.muli %parallel_loop3A_280, %parallel_loop3A_281 : i32
        %parallel_loop3A_283 = vector.broadcast %parallel_loop3A_282 : i32 to vector<16xi32>
        %parallel_loop3A_284 = arith.addi %add3A_162, %parallel_loop3A_283 : vector<16xi32>
        %parallel_loop3A_285 = tpu.vector_load_idx %arg5[%parallel_loop3A_284] : memref<24576xf32, #tpu.memory_space<vmem>>[vector<16xi32>], vector<16xf32>,
        %parallel_loop3A_286 = arith.index_cast %parallel_loop3A_280 : i32 to index
        %parallel_loop3A_287 = arith.constant 0 : index
        %parallel_loop3A_288 = tpu.vector_load %arg8[%parallel_loop3A_286, %parallel_loop3A_287] {strides = array<i32>} : memref<96x256xf32, #tpu.memory_space<vmem>>, vector<16xf32>,
        tpu.vector_store %arg8[%parallel_loop3A_286, %parallel_loop3A_287], %parallel_loop3A_285 {strides = array<i32>} : memref<96x256xf32, #tpu.memory_space<vmem>>, vector<16xf32>,
        %parallel_loop3A_289 = vector.broadcast %parallel_loop3A_282 : i32 to vector<16xi32>
        %parallel_loop3A_290 = arith.addi %add3A_169, %parallel_loop3A_289 : vector<16xi32>
        %parallel_loop3A_291 = tpu.vector_load_idx %arg5[%parallel_loop3A_290] : memref<24576xf32, #tpu.memory_space<vmem>>[vector<16xi32>], vector<16xf32>,
        %parallel_loop3A_292 = arith.index_cast %parallel_loop3A_280 : i32 to index
        %parallel_loop3A_293 = arith.constant 16 : index
        %parallel_loop3A_294 = tpu.vector_load %arg8[%parallel_loop3A_292, %parallel_loop3A_293] {strides = array<i32>} : memref<96x256xf32, #tpu.memory_space<vmem>>, vector<16xf32>,
        tpu.vector_store %arg8[%parallel_loop3A_292, %parallel_loop3A_293], %parallel_loop3A_291 {strides = array<i32>} : memref<96x256xf32, #tpu.memory_space<vmem>>, vector<16xf32>,
        %parallel_loop3A_295 = vector.broadcast %parallel_loop3A_282 : i32 to vector<16xi32>
        %parallel_loop3A_296 = arith.addi %add3A_176, %parallel_loop3A_295 : vector<16xi32>
        %parallel_loop3A_297 = tpu.vector_load_idx %arg5[%parallel_loop3A_296] : memref<24576xf32, #tpu.memory_space<vmem>>[vector<16xi32>], vector<16xf32>,
        %parallel_loop3A_298 = arith.index_cast %parallel_loop3A_280 : i32 to index
        %parallel_loop3A_299 = arith.constant 32 : index
        %parallel_loop3A_300 = tpu.vector_load %arg8[%parallel_loop3A_298, %parallel_loop3A_299] {strides = array<i32>} : memref<96x256xf32, #tpu.memory_space<vmem>>, vector<16xf32>,
        tpu.vector_store %arg8[%parallel_loop3A_298, %parallel_loop3A_299], %parallel_loop3A_297 {strides = array<i32>} : memref<96x256xf32, #tpu.memory_space<vmem>>, vector<16xf32>,
        %parallel_loop3A_301 = vector.broadcast %parallel_loop3A_282 : i32 to vector<16xi32>
        %parallel_loop3A_302 = arith.addi %add3A_183, %parallel_loop3A_301 : vector<16xi32>
        %parallel_loop3A_303 = tpu.vector_load_idx %arg5[%parallel_loop3A_302] : memref<24576xf32, #tpu.memory_space<vmem>>[vector<16xi32>], vector<16xf32>,
        %parallel_loop3A_304 = arith.index_cast %parallel_loop3A_280 : i32 to index
        %parallel_loop3A_305 = arith.constant 48 : index
        %parallel_loop3A_306 = tpu.vector_load %arg8[%parallel_loop3A_304, %parallel_loop3A_305] {strides = array<i32>} : memref<96x256xf32, #tpu.memory_space<vmem>>, vector<16xf32>,
        tpu.vector_store %arg8[%parallel_loop3A_304, %parallel_loop3A_305], %parallel_loop3A_303 {strides = array<i32>} : memref<96x256xf32, #tpu.memory_space<vmem>>, vector<16xf32>,
        %parallel_loop3A_307 = vector.broadcast %parallel_loop3A_282 : i32 to vector<16xi32>
        %parallel_loop3A_308 = arith.addi %add3A_190, %parallel_loop3A_307 : vector<16xi32>
        %parallel_loop3A_309 = tpu.vector_load_idx %arg5[%parallel_loop3A_308] : memref<24576xf32, #tpu.memory_space<vmem>>[vector<16xi32>], vector<16xf32>,
        %parallel_loop3A_310 = arith.index_cast %parallel_loop3A_280 : i32 to index
        %parallel_loop3A_311 = arith.constant 64 : index
        %parallel_loop3A_312 = tpu.vector_load %arg8[%parallel_loop3A_310, %parallel_loop3A_311] {strides = array<i32>} : memref<96x256xf32, #tpu.memory_space<vmem>>, vector<16xf32>,
        tpu.vector_store %arg8[%parallel_loop3A_310, %parallel_loop3A_311], %parallel_loop3A_309 {strides = array<i32>} : memref<96x256xf32, #tpu.memory_space<vmem>>, vector<16xf32>,
        %parallel_loop3A_313 = vector.broadcast %parallel_loop3A_282 : i32 to vector<16xi32>
        %parallel_loop3A_314 = arith.addi %add3A_197, %parallel_loop3A_313 : vector<16xi32>
        %parallel_loop3A_315 = tpu.vector_load_idx %arg5[%parallel_loop3A_314] : memref<24576xf32, #tpu.memory_space<vmem>>[vector<16xi32>], vector<16xf32>,
        %parallel_loop3A_316 = arith.index_cast %parallel_loop3A_280 : i32 to index
        %parallel_loop3A_317 = arith.constant 80 : index
        %parallel_loop3A_318 = tpu.vector_load %arg8[%parallel_loop3A_316, %parallel_loop3A_317] {strides = array<i32>} : memref<96x256xf32, #tpu.memory_space<vmem>>, vector<16xf32>,
        tpu.vector_store %arg8[%parallel_loop3A_316, %parallel_loop3A_317], %parallel_loop3A_315 {strides = array<i32>} : memref<96x256xf32, #tpu.memory_space<vmem>>, vector<16xf32>,
        %parallel_loop3A_319 = vector.broadcast %parallel_loop3A_282 : i32 to vector<16xi32>
        %parallel_loop3A_320 = arith.addi %add3A_204, %parallel_loop3A_319 : vector<16xi32>
        %parallel_loop3A_321 = tpu.vector_load_idx %arg5[%parallel_loop3A_320] : memref<24576xf32, #tpu.memory_space<vmem>>[vector<16xi32>], vector<16xf32>,
        %parallel_loop3A_322 = arith.index_cast %parallel_loop3A_280 : i32 to index
        %parallel_loop3A_323 = arith.constant 96 : index
        %parallel_loop3A_324 = tpu.vector_load %arg8[%parallel_loop3A_322, %parallel_loop3A_323] {strides = array<i32>} : memref<96x256xf32, #tpu.memory_space<vmem>>, vector<16xf32>,
        tpu.vector_store %arg8[%parallel_loop3A_322, %parallel_loop3A_323], %parallel_loop3A_321 {strides = array<i32>} : memref<96x256xf32, #tpu.memory_space<vmem>>, vector<16xf32>,
        %parallel_loop3A_325 = vector.broadcast %parallel_loop3A_282 : i32 to vector<16xi32>
        %parallel_loop3A_326 = arith.addi %add3A_211, %parallel_loop3A_325 : vector<16xi32>
        %parallel_loop3A_327 = tpu.vector_load_idx %arg5[%parallel_loop3A_326] : memref<24576xf32, #tpu.memory_space<vmem>>[vector<16xi32>], vector<16xf32>,
        %parallel_loop3A_328 = arith.index_cast %parallel_loop3A_280 : i32 to index
        %parallel_loop3A_329 = arith.constant 112 : index
        %parallel_loop3A_330 = tpu.vector_load %arg8[%parallel_loop3A_328, %parallel_loop3A_329] {strides = array<i32>} : memref<96x256xf32, #tpu.memory_space<vmem>>, vector<16xf32>,
        tpu.vector_store %arg8[%parallel_loop3A_328, %parallel_loop3A_329], %parallel_loop3A_327 {strides = array<i32>} : memref<96x256xf32, #tpu.memory_space<vmem>>, vector<16xf32>,
        %parallel_loop3A_331 = vector.broadcast %parallel_loop3A_282 : i32 to vector<16xi32>
        %parallel_loop3A_332 = arith.addi %add3A_218, %parallel_loop3A_331 : vector<16xi32>
        %parallel_loop3A_333 = tpu.vector_load_idx %arg5[%parallel_loop3A_332] : memref<24576xf32, #tpu.memory_space<vmem>>[vector<16xi32>], vector<16xf32>,
        %parallel_loop3A_334 = arith.index_cast %parallel_loop3A_280 : i32 to index
        %parallel_loop3A_335 = arith.constant 128 : index
        %parallel_loop3A_336 = tpu.vector_load %arg8[%parallel_loop3A_334, %parallel_loop3A_335] {strides = array<i32>} : memref<96x256xf32, #tpu.memory_space<vmem>>, vector<16xf32>,
        tpu.vector_store %arg8[%parallel_loop3A_334, %parallel_loop3A_335], %parallel_loop3A_333 {strides = array<i32>} : memref<96x256xf32, #tpu.memory_space<vmem>>, vector<16xf32>,
        %parallel_loop3A_337 = vector.broadcast %parallel_loop3A_282 : i32 to vector<16xi32>
        %parallel_loop3A_338 = arith.addi %add3A_225, %parallel_loop3A_337 : vector<16xi32>
        %parallel_loop3A_339 = tpu.vector_load_idx %arg5[%parallel_loop3A_338] : memref<24576xf32, #tpu.memory_space<vmem>>[vector<16xi32>], vector<16xf32>,
        %parallel_loop3A_340 = arith.index_cast %parallel_loop3A_280 : i32 to index
        %parallel_loop3A_341 = arith.constant 144 : index
        %parallel_loop3A_342 = tpu.vector_load %arg8[%parallel_loop3A_340, %parallel_loop3A_341] {strides = array<i32>} : memref<96x256xf32, #tpu.memory_space<vmem>>, vector<16xf32>,
        tpu.vector_store %arg8[%parallel_loop3A_340, %parallel_loop3A_341], %parallel_loop3A_339 {strides = array<i32>} : memref<96x256xf32, #tpu.memory_space<vmem>>, vector<16xf32>,
        %parallel_loop3A_343 = vector.broadcast %parallel_loop3A_282 : i32 to vector<16xi32>
        %parallel_loop3A_344 = arith.addi %add3A_232, %parallel_loop3A_343 : vector<16xi32>
        %parallel_loop3A_345 = tpu.vector_load_idx %arg5[%parallel_loop3A_344] : memref<24576xf32, #tpu.memory_space<vmem>>[vector<16xi32>], vector<16xf32>,
        %parallel_loop3A_346 = arith.index_cast %parallel_loop3A_280 : i32 to index
        %parallel_loop3A_347 = arith.constant 160 : index
        %parallel_loop3A_348 = tpu.vector_load %arg8[%parallel_loop3A_346, %parallel_loop3A_347] {strides = array<i32>} : memref<96x256xf32, #tpu.memory_space<vmem>>, vector<16xf32>,
        tpu.vector_store %arg8[%parallel_loop3A_346, %parallel_loop3A_347], %parallel_loop3A_345 {strides = array<i32>} : memref<96x256xf32, #tpu.memory_space<vmem>>, vector<16xf32>,
        %parallel_loop3A_349 = vector.broadcast %parallel_loop3A_282 : i32 to vector<16xi32>
        %parallel_loop3A_350 = arith.addi %add3A_239, %parallel_loop3A_349 : vector<16xi32>
        %parallel_loop3A_351 = tpu.vector_load_idx %arg5[%parallel_loop3A_350] : memref<24576xf32, #tpu.memory_space<vmem>>[vector<16xi32>], vector<16xf32>,
        %parallel_loop3A_352 = arith.index_cast %parallel_loop3A_280 : i32 to index
        %parallel_loop3A_353 = arith.constant 176 : index
        %parallel_loop3A_354 = tpu.vector_load %arg8[%parallel_loop3A_352, %parallel_loop3A_353] {strides = array<i32>} : memref<96x256xf32, #tpu.memory_space<vmem>>, vector<16xf32>,
        tpu.vector_store %arg8[%parallel_loop3A_352, %parallel_loop3A_353], %parallel_loop3A_351 {strides = array<i32>} : memref<96x256xf32, #tpu.memory_space<vmem>>, vector<16xf32>,
        %parallel_loop3A_355 = vector.broadcast %parallel_loop3A_282 : i32 to vector<16xi32>
        %parallel_loop3A_356 = arith.addi %add3A_246, %parallel_loop3A_355 : vector<16xi32>
        %parallel_loop3A_357 = tpu.vector_load_idx %arg5[%parallel_loop3A_356] : memref<24576xf32, #tpu.memory_space<vmem>>[vector<16xi32>], vector<16xf32>,
        %parallel_loop3A_358 = arith.index_cast %parallel_loop3A_280 : i32 to index
        %parallel_loop3A_359 = arith.constant 192 : index
        %parallel_loop3A_360 = tpu.vector_load %arg8[%parallel_loop3A_358, %parallel_loop3A_359] {strides = array<i32>} : memref<96x256xf32, #tpu.memory_space<vmem>>, vector<16xf32>,
        tpu.vector_store %arg8[%parallel_loop3A_358, %parallel_loop3A_359], %parallel_loop3A_357 {strides = array<i32>} : memref<96x256xf32, #tpu.memory_space<vmem>>, vector<16xf32>,
        %parallel_loop3A_361 = vector.broadcast %parallel_loop3A_282 : i32 to vector<16xi32>
        %parallel_loop3A_362 = arith.addi %add3A_253, %parallel_loop3A_361 : vector<16xi32>
        %parallel_loop3A_363 = tpu.vector_load_idx %arg5[%parallel_loop3A_362] : memref<24576xf32, #tpu.memory_space<vmem>>[vector<16xi32>], vector<16xf32>,
        %parallel_loop3A_364 = arith.index_cast %parallel_loop3A_280 : i32 to index
        %parallel_loop3A_365 = arith.constant 208 : index
        %parallel_loop3A_366 = tpu.vector_load %arg8[%parallel_loop3A_364, %parallel_loop3A_365] {strides = array<i32>} : memref<96x256xf32, #tpu.memory_space<vmem>>, vector<16xf32>,
        tpu.vector_store %arg8[%parallel_loop3A_364, %parallel_loop3A_365], %parallel_loop3A_363 {strides = array<i32>} : memref<96x256xf32, #tpu.memory_space<vmem>>, vector<16xf32>,
        %parallel_loop3A_367 = vector.broadcast %parallel_loop3A_282 : i32 to vector<16xi32>
        %parallel_loop3A_368 = arith.addi %add3A_260, %parallel_loop3A_367 : vector<16xi32>
        %parallel_loop3A_369 = tpu.vector_load_idx %arg5[%parallel_loop3A_368] : memref<24576xf32, #tpu.memory_space<vmem>>[vector<16xi32>], vector<16xf32>,
        %parallel_loop3A_370 = arith.index_cast %parallel_loop3A_280 : i32 to index
        %parallel_loop3A_371 = arith.constant 224 : index
        %parallel_loop3A_372 = tpu.vector_load %arg8[%parallel_loop3A_370, %parallel_loop3A_371] {strides = array<i32>} : memref<96x256xf32, #tpu.memory_space<vmem>>, vector<16xf32>,
        tpu.vector_store %arg8[%parallel_loop3A_370, %parallel_loop3A_371], %parallel_loop3A_369 {strides = array<i32>} : memref<96x256xf32, #tpu.memory_space<vmem>>, vector<16xf32>,
        %parallel_loop3A_373 = vector.broadcast %parallel_loop3A_282 : i32 to vector<16xi32>
        %parallel_loop3A_374 = arith.addi %add3A_267, %parallel_loop3A_373 : vector<16xi32>
        %parallel_loop3A_375 = tpu.vector_load_idx %arg5[%parallel_loop3A_374] : memref<24576xf32, #tpu.memory_space<vmem>>[vector<16xi32>], vector<16xf32>,
        %parallel_loop3A_376 = arith.index_cast %parallel_loop3A_280 : i32 to index
        %parallel_loop3A_377 = arith.constant 240 : index
        %parallel_loop3A_378 = tpu.vector_load %arg8[%parallel_loop3A_376, %parallel_loop3A_377] {strides = array<i32>} : memref<96x256xf32, #tpu.memory_space<vmem>>, vector<16xf32>,
        tpu.vector_store %arg8[%parallel_loop3A_376, %parallel_loop3A_377], %parallel_loop3A_375 {strides = array<i32>} : memref<96x256xf32, #tpu.memory_space<vmem>>, vector<16xf32>,
      } {sc.loop_unroll_factor = 1 : i64, sc.parallel_access}
      %add3A_271 = arith.constant 256 : i32
      %add3A_272 = arith.addi %multiple_of3A, %add3A_271 : i32
      %multiple_of3A_273 = tpu.assume_multiple %add3A_272, 256 : i32
      %dma_start3A_274 = arith.constant 0 : i32
      %dma_start3A_275 = tpu.memref_slice %arg4[%scan3A_27, %dma_start3A_274, %multiple_of3A_273] : memref<50x96x16384xf32, #tpu.memory_space<hbm>> -> memref<1x96x256xf32, #tpu.memory_space<hbm>>
      %dma_start3A_276 = tpu.memref_squeeze %dma_start3A_275 : memref<1x96x256xf32, #tpu.memory_space<hbm>> -> memref<96x256xf32, #tpu.memory_space<hbm>>
      %dma_start3A_277 = arith.constant 0 : i32
      %dma_start3A_278 = tpu.memref_slice %arg4[%scan3A_27, %dma_start3A_277, %multiple_of3A_273] : memref<50x96x16384xf32, #tpu.memory_space<hbm>> -> memref<1x96x256xf32, #tpu.memory_space<hbm>>
      %dma_start3A_279 = tpu.memref_squeeze %dma_start3A_278 : memref<1x96x256xf32, #tpu.memory_space<hbm>> -> memref<96x256xf32, #tpu.memory_space<hbm>>
      tpu.enqueue_dma source(%arg8 : memref<96x256xf32, #tpu.memory_space<vmem>>) target(%dma_start3A_279 : memref<96x256xf32, #tpu.memory_space<hbm>>) target_semaphore(%arg10 : memref<!tpu.dma_semaphore, #tpu.memory_space<semaphore_mem>>)
    }
    %scan3A_7 = arith.constant 50 : i32
    %add3A_8 = arith.constant 0 : i32
    %add3A_9 = arith.addi %multiple_of3A, %add3A_8 : i32
    %multiple_of3A_10 = tpu.assume_multiple %add3A_9, 256 : i32
    %dma_wait3A = arith.constant 49 : i32
    %dma_wait3A_11 = arith.constant 0 : i32
    %dma_wait3A_12 = tpu.memref_slice %arg4[%dma_wait3A, %dma_wait3A_11, %multiple_of3A_10] : memref<50x96x16384xf32, #tpu.memory_space<hbm>> -> memref<1x96x256xf32, #tpu.memory_space<hbm>>
    %dma_wait3A_13 = tpu.memref_squeeze %dma_wait3A_12 : memref<1x96x256xf32, #tpu.memory_space<hbm>> -> memref<96x256xf32, #tpu.memory_space<hbm>>
    %dma_wait3A_14 = arith.constant 0 : i32
    %dma_wait3A_15 = tpu.memref_slice %arg4[%dma_wait3A, %dma_wait3A_14, %multiple_of3A_10] : memref<50x96x16384xf32, #tpu.memory_space<hbm>> -> memref<1x96x256xf32, #tpu.memory_space<hbm>>
    %dma_wait3A_16 = tpu.memref_squeeze %dma_wait3A_15 : memref<1x96x256xf32, #tpu.memory_space<hbm>> -> memref<96x256xf32, #tpu.memory_space<hbm>>
    tpu.wait_dma2 semaphore(%arg9 : memref<!tpu.dma_semaphore, #tpu.memory_space<semaphore_mem>>) src(%arg7 : memref<96x256xf32, #tpu.memory_space<vmem>>) dst(%dma_wait3A_16 : memref<96x256xf32, #tpu.memory_space<hbm>>)
    %add3A_17 = arith.constant 256 : i32
    %add3A_18 = arith.addi %multiple_of3A, %add3A_17 : i32
    %multiple_of3A_19 = tpu.assume_multiple %add3A_18, 256 : i32
    %dma_wait3A_20 = arith.constant 49 : i32
    %dma_wait3A_21 = arith.constant 0 : i32
    %dma_wait3A_22 = tpu.memref_slice %arg4[%dma_wait3A_20, %dma_wait3A_21, %multiple_of3A_19] : memref<50x96x16384xf32, #tpu.memory_space<hbm>> -> memref<1x96x256xf32, #tpu.memory_space<hbm>>
    %dma_wait3A_23 = tpu.memref_squeeze %dma_wait3A_22 : memref<1x96x256xf32, #tpu.memory_space<hbm>> -> memref<96x256xf32, #tpu.memory_space<hbm>>
    %dma_wait3A_24 = arith.constant 0 : i32
    %dma_wait3A_25 = tpu.memref_slice %arg4[%dma_wait3A_20, %dma_wait3A_24, %multiple_of3A_19] : memref<50x96x16384xf32, #tpu.memory_space<hbm>> -> memref<1x96x256xf32, #tpu.memory_space<hbm>>
    %dma_wait3A_26 = tpu.memref_squeeze %dma_wait3A_25 : memref<1x96x256xf32, #tpu.memory_space<hbm>> -> memref<96x256xf32, #tpu.memory_space<hbm>>
    tpu.wait_dma2 semaphore(%arg10 : memref<!tpu.dma_semaphore, #tpu.memory_space<semaphore_mem>>) src(%arg8 : memref<96x256xf32, #tpu.memory_space<vmem>>) dst(%dma_wait3A_26 : memref<96x256xf32, #tpu.memory_space<hbm>>)
    return
  }
}

</mosaic_0001>

<sc_bundles>
// kernel: _sc_gather.3.cloned.1.call-start
scs
__scs_entry_jumppad:
0x0: {  	(pc) =	sbr.rel $0x88, $3  }
0x1: {  	(tag) =	ssettag $0x0;
	lr =	simm.s32 $0x1  }
0x2: {  	[smem:$0x3F9F] =	sst lr;
	_ =	strace $0xD0000000  }
0x3: {  	_ = 	snop  }
0x4: {  	_ = 	snop  }
0x5: {  	_ = 	snop  }
0x6: {  	_ = 	snop  }
0x7: {  	_ = 	snop  }
__scs_overlays_trampoline_lowered:
0x8: {  	[smem:$0x3FAE] =	sst s0  }
0x9: {  	[smem:$0x3FAF] =	sst s1  }
0xa: {  	[smem:$0x3FB0] =	sst s2  }
0xb: {  	[smem:$0x3FB1] =	sst s3  }
0xc: {  	[smem:$0x3FB2] =	sst s4  }
0xd: {  	[smem:$0x3FB3] =	sst s5  }
0xe: {  	[smem:$0x3FB4] =	sst s6  }
0xf: {  	[smem:$0x3FB5] =	sst s7  }
0x10: {  	[smem:$0x3FB6] =	sst s8  }
0x11: {  	[smem:$0x3FB7] =	sst s9;
	s0 =	simm.s32 @!p0 $0x0  }
0x12: {  	s1 =	sld [smem:$0x3F9D];
	s0 =	simm.s32 @p0 $0x1  }
0x13: {  	[smem:$0x3FB8] =	sst s0;
	s0 =	simm.s32 @!p1 $0x0  }
0x14: {  	s2 =	sld [smem:$0x3F9C];
	s0 =	simm.s32 @p1 $0x1  }
0x15: {  	[smem:$0x3FB9] =	sst s0;
	s0 =	simm.s32 @!p2 $0x0  }
0x16: {  	s3 =	sld [smem:$0x3FDB];
	s0 =	simm.s32 @p2 $0x1  }
0x17: {  	s4 =	simm.s32 $0x1BF5;
	[smem:$0x3FBB] =	sst s0  }
0x18: {  	s0 =	sld [smem:$0x3F9E];
	_ =	swait.ge [sflag:s4], $0x0  }
0x19: {  	s7 =	sld [smem:$0x3F9F]  }
0x1a: {  	s8 =	sadd.s32 $0xFFFFE003, lr  }
0x1b: {  	s9 =	sadd.s32 $0xFFFFFEF7, lr;
	s5 =	simm.s32 $0xFFFFFFFF;
	p2 =	slt.u32 s8, $0xFFFFF086  }
0x1c: {  	p1 =	slt.u32 s9, $0xF7A;
	s5 =	simm.s32 @!p2 $0x0  }
0x1d: {  	s5 =	simm.s32 @p1 $0x1;
	p0 =	seq.s32 s7, s2  }
0x1e: {  	s7 =	smul.u32 @!p0 $0xF7A, s2;
	p2 =	seq.s32 @!p0 s5, $0x0  }
0x1f: {  	s9 =	smul.u32 $0xF7A, s1;
	s8 =	simm.s32 @!p0 $0x1BF5;
	p2 =	por !p2, p0  }
0x20: {  	[sflag:s8] =	ssyncset.s32 @!p0 $0xFFFFF086;
	s6 =	sadd.s32 @!p0 s3, s7;
	s7 =	simm.s32 @!p0 $0x108  }
0x21: {  	s3 =	sadd.s32 s3, s9;
	s6 =	sadd.s32 @!p0 $0x88, s6;
	s7 =	simm.s32 @p2 $0x1082  }
0x22: {  	[simem:s7], [sflag:s8] =	dma.local @!p0 [hbm:s6], $0xF7A  }
0x23: {  	s9 =	sor.u32 $0xD0000000, s2;
	s6 =	simm.s32 $0x108;
	_ =	swait.ge @!p0 [sflag:s8], $0x0  }
0x24: {  	s3 =	sadd.s32 $0x88, s3;
	s6 =	simm.s32 @!p1 $0x1082;
	[sflag:s4] =	ssyncset.s32 $0xFFFFF086  }
0x25: {  	[simem:s6], [sflag:s4] =	dma.local [hbm:s3], $0xF7A  }
0x26: {  	[smem:$0x3F9F] =	sst s1;
	(tag) =	ssettag s2;
	_ =	strace s9  }
0x27: {  	s1 =	sld [smem:$0x3FAF]  }
0x28: {  	s2 =	sld [smem:$0x3FB0]  }
0x29: {  	s4 =	sld [smem:$0x3FB2]  }
0x2a: {  	p0 =	seq.s32 s5, $0x0;
	s5 =	sld [smem:$0x3FB3]  }
0x2b: {  	s6 =	sld [smem:$0x3FB4]  }
0x2c: {  	s7 =	sld [smem:$0x3FB5]  }
0x2d: {  	s3 =	simm.s32 $0x108;
	s8 =	sld [smem:$0x3FB6]  }
0x2e: {  	s3 =	simm.s32 @!p0 $0x1082;
	s9 =	sld [smem:$0x3FB7]  }
0x2f: {  	lr =	sadd.s32 s0, s3;
	s0 =	sld [smem:$0x3FAE]  }
0x30: {  	s3 =	sld [smem:$0x3FB1]  }
0x31: {  	[smem:$0x3FBA] =	sst s10  }
0x32: {  	s10 =	sld [smem:$0x3FB8];
	_ =	sdelay $0x3  }
0x33: {  	p0 =	seq.s32 s10, $0x1;
	s10 =	sld [smem:$0x3FBA];
	_ =	sdelay $0x3  }
0x34: {  	[smem:$0x3FBA] =	sst s10  }
0x35: {  	s10 =	sld [smem:$0x3FB9];
	_ =	sdelay $0x3  }
0x36: {  	p1 =	seq.s32 s10, $0x1;
	s10 =	sld [smem:$0x3FBA];
	_ =	sdelay $0x3  }
0x37: {  	[smem:$0x3FBA] =	sst s10  }
0x38: {  	s10 =	sld [smem:$0x3FBB]  }
0x39: {  	_ = 	snop;
	(pc) =	sbr.ind lr, $3  }
0x3a: {  	_ = 	snop  }
0x3b: {  	_ = 	snop  }
0x3c: {  	p2 =	seq.s32 s10, $0x1;
	s10 =	sld [smem:$0x3FBA]  }
0x3d: {  	_ =	shalt  }
0x3e: {  	_ =	shalt  }
0x3f: {  	_ =	shalt  }
0x40: {  	_ =	shalt  }
0x41: {  	_ =	shalt  }
0x42: {  	_ =	shalt  }
0x43: {  	_ =	shalt  }
0x44: {  	_ =	shalt  }
0x45: {  	_ =	shalt  }
0x46: {  	_ =	shalt  }
0x47: {  	_ =	shalt  }
0x48: {  	_ =	shalt  }
0x49: {  	_ =	shalt  }
0x4a: {  	_ =	shalt  }
0x4b: {  	_ =	shalt  }
0x4c: {  	_ =	shalt  }
0x4d: {  	_ =	shalt  }
0x4e: {  	_ =	shalt  }
0x4f: {  	_ =	shalt  }
0x50: {  	_ =	shalt  }
0x51: {  	_ =	shalt  }
0x52: {  	_ =	shalt  }
0x53: {  	_ =	shalt  }
0x54: {  	_ =	shalt  }
0x55: {  	_ =	shalt  }
0x56: {  	_ =	shalt  }
0x57: {  	_ =	shalt  }
0x58: {  	_ =	shalt  }
0x59: {  	_ =	shalt  }
0x5a: {  	_ =	shalt  }
0x5b: {  	_ =	shalt  }
0x5c: {  	_ =	shalt  }
0x5d: {  	_ =	shalt  }
0x5e: {  	_ =	shalt  }
0x5f: {  	_ =	shalt  }
0x60: {  	_ =	shalt  }
0x61: {  	_ =	shalt  }
0x62: {  	_ =	shalt  }
0x63: {  	_ =	shalt  }
0x64: {  	_ =	shalt  }
0x65: {  	_ =	shalt  }
0x66: {  	_ =	shalt  }
0x67: {  	_ =	shalt  }
0x68: {  	_ =	shalt  }
0x69: {  	_ =	shalt  }
0x6a: {  	_ =	shalt  }
0x6b: {  	_ =	shalt  }
0x6c: {  	_ =	shalt  }
0x6d: {  	_ =	shalt  }
0x6e: {  	_ =	shalt  }
0x6f: {  	_ =	shalt  }
0x70: {  	_ =	shalt  }
0x71: {  	_ =	shalt  }
0x72: {  	_ =	shalt  }
0x73: {  	_ =	shalt  }
0x74: {  	_ =	shalt  }
0x75: {  	_ =	shalt  }
0x76: {  	_ =	shalt  }
0x77: {  	_ =	shalt  }
0x78: {  	_ =	shalt  }
0x79: {  	_ =	shalt  }
0x7a: {  	_ =	shalt  }
0x7b: {  	_ =	shalt  }
0x7c: {  	_ =	shalt  }
0x7d: {  	_ =	shalt  }
0x7e: {  	_ =	shalt  }
0x7f: {  	_ =	shalt  }
0x80: {  	_ =	shalt  }
0x81: {  	_ =	shalt  }
0x82: {  	_ =	shalt  }
0x83: {  	_ =	shalt  }
0x84: {  	_ =	shalt  }
0x85: {  	_ =	shalt  }
0x86: {  	_ =	shalt  }
0x87: {  	_ =	shalt  }
.Lfunc_end0:
.L_simem_size_0:
called_computation_lowered:
.L_overlay_start_0:
0x88: {  	s2 =	sld [smem:$0x3FD9]  }
0x89: {  	s3 =	sld [smem:$0x3FFE];
	_ =	sdelay $0x1  }
0x8a: {  	s1 =	srdreg.scid  }
0x8b: {  	s0 =	sand.u32 $0x1, s1  }
0x8c: {  	s18 =	sshll.u32 s0, $0xA;
	s2 =	sadd.s32 s3, s2  }
0x8d: {  	s2 =	sadd.s32 s2, s18  }
0x8e: {  	[smem:$0x3FC6] =	sst s2  }
0x8f: {  	_ = 	snop  }
0x90: {  	s2 =	sld [smem:$0x3FC9]  }
0x91: {  	s19 =	sld [smem:$0x3FC8]  }
0x92: {  	s4 =	sld [smem:$0x3FD0];
	(tm) =	ssettm $0x1  }
0x93: {  	s5 =	sld [smem:$0x3FFB];
	_ =	sdelay $0x3  }
0x94: {  	_ =	strace s5  }
0x95: {  	s5 =	sld [smem:$0x3FFC];
	_ =	sdelay $0x3  }
0x96: {  	_ =	strace s5  }
0x97: {  	s5 =	sld [smem:$0x3FFD];
	_ =	sdelay $0x3  }
0x98: {  	_ =	strace s5  }
0x99: {  	_ =	strace $0x8FFFFFFF  }
0x9a: {  	s20 =	sld [smem:$0x3FDB];
	_ =	sdelay $0x1  }
0x9b: {  	s6 =	simm.s32 $_scs_section_size  }
0x9c: {  	s7 =	simm.s32 $_size__tile_overlayer_lowered;
	s8 =	simm.s32 $_tile_overlayer_lowered  }
0x9d: {  	s23 =	simm.s32 $0x1BFF;
	s22 =	sshll.u32 s8, $0x1;
	s5 =	sadd.s32 s6, s20  }
0x9e: {  	s9 =	simm.s32 $0x0;
	s21 =	sshll.u32 s7, $0x1;
	s7 =	sadd.s32 s22, s5  }
0x9f: {  	[timem:s9], [sflag:s23] =	dma.local [hbm:s7], s21  }
0xa0: {  	_ =	swait.ge [sflag:s23], s21  }
0xa1: {  	s6 =	ssub.s32 $0x0, s21;
	[sflag:s23] =	ssyncset.done $0x0  }
0xa2: {  	[sflag:s23] =	ssyncadd.s32 s6;
	_ =	sdelay $0x1  }
0xa3: {  	s24 =	simm.s32 $0x1B8B  }
0xa4: {  	_ =	swait.ge [sflag:s24], $0x1  }
0xa5: {  	[sflag:s24] =	ssyncset.done $0x0  }
0xa6: {  	s25 =	simm.s32 $0x1B8E;
	[sflag:s24] =	ssyncadd.s32 $0xFFFFFFFF  }
0xa7: {  	s26 =	simm.s32 $execute0_lowered;
	[smem:$0x3FD2] =	sst s25  }
0xa8: {  	s6 =	sshll.u32 s26, $0x1;
	_ =	strace $0x80000046;
	[dreg:$0x1] =	wrdreg $0xFFFFFFFF  }
0xa9: {  	s28 =	simm.s32 $_size_execute0_lowered;
	s5 =	sadd.s32 s5, s6;
	[dreg:$0x0] =	wrdreg $0x0  }
0xaa: {  	s6 =	sshll.u32 s28, $0x1;
	[dreg:$0x2] =	wrdreg s5  }
0xab: {  	[dreg:$0x3] =	wrdreg s6  }
0xac: {  	[dreg:$0x4] =	wrdreg $0xC0  }
0xad: {  	_ =	task [dreg:s9], $0x5FFFF  }
0xae: {  	[dreg:$0x1] =	wrdreg $0xFFFFFFFF  }
0xaf: {  	[dreg:$0x0] =	wrdreg $0x60  }
0xb0: {  	[dreg:$0x2] =	wrdreg s2  }
0xb1: {  	[dreg:$0x3] =	wrdreg s19  }
0xb2: {  	[dreg:$0x4] =	wrdreg s4  }
0xb3: {  	[dreg:$0x5] =	wrdreg $0x9  }
0xb4: {  	_ =	task.clear_ibuf [dreg:s9], $0x6FFFF;
	_ =	strace $0x90000046  }
0xb5: {  	s29 =	simm.s32 $0x9;
	_ =	strace $0x80000048  }
0xb6: {  	_ =	swait.ge [sflag:s29], $0x1  }
0xb7: {  	[sflag:s29] =	ssyncadd.s32 $0xFFFFFFFF  }
0xb8: {  	_ =	strace $0x90000048  }
0xb9: {  	_ =	sfence  }
0xba: {  	s30 =	sld [smem:$0x0];
	_ =	sdelay $0x2  }
0xbb: {  	s31 =	sshll.u32 s1, $0xD;
	s1 =	sshrl.u32 s1, $0x2  }
0xbc: {  	s3 =	sand.u32 $0x4000, s31;
	s1 =	sadd.s32 s1, s30  }
0xbd: {  	s0 =	sor.u32 s3, s0;
	s1 =	sshll.u32 s1, $0x11  }
0xbe: {  	s0 =	sor.u32 s1, s0  }
0xbf: {  	s0 =	sadd.s32 $0x8F2B, s0  }
0xc0: {  	[sflag:s0] =	ssyncadd.remote.s32 $0x1  }
0xc1: {  	_ =	sfence.sel $0xFFFF  }
0xc2: {  	[dreg:$0x0] =	wrdreg $0xFFFFFFFF;
	(pc) =	sbr.abs _section_cstart, $3  }
0xc3: {  	[dreg:$0x1] =	wrdreg $0xFFFFFFFF  }
0xc4: {  	_ =	task.clear_ibuf [dreg:s9], $0x2FFFF;
	_ =	strace $0x9FFFFFFF  }
0xc5: {  	(tm) =	ssettm $0x7FFFFFFF  }
tec
execute0_lowered:
.L_overlay_start_1:
0x0: {  	(tag) =	ssettag $0x1  }
0x1: {  	s0 =	rddreg [dreg:$0x1]  }
0x2: {  	s2 =	rddreg [dreg:$0x2]  }
0x3: {  	s1 =	srdreg.scid;
	s4 =	simm.s32 $0x0;
	s6 =	stileid.u32  }
0x4: {  	s9 =	simm.s32 $0x3;
	s11 =	simm.s32 $0x20000;
	s13 =	simm.s32 $0x800  }
0x5: {  	s14 =	simm.s32 $0xD000;
	s15 =	simm.s32 $0x13000;
	s16 =	simm.s32 $0x1  }
0x6: {  	s17 =	simm.s32 $0x2;
	s18 =	simm.s32 $0x0;
	s1 =	sand.u32 $0x1, s1  }
0x7: {  	s6 =	sshll.u32 s6, $0xA;
	s3 =	ssub.s32 $0x2, s1;
	s1 =	sshll.u32 s1, $0x9  }
0x8: {  	[smem:$0x7FF] =	sst s4;
	s5 =	sshrl.u32 s3, $0x1;
	s1 =	sor.u32 s1, s6  }
0x9: {  	_ =	strace $0x80000047;
	s3 =	ssub.s32 s3, s5;
	s0 =	sadd.s32 s0, s1  }
0xa: {  	s30 =	sshll.u32 s1, $0x3;
	[dreg:$0x4] =	wrdreg s0;
	s31 =	smax.u32 s3, $0x1  }
0xb: {  	v0 =	vlaneseq.u32;
	s6 =	sadd.s32 s2, s1;
	s7 =	sor.u32 $0x800, s30;
	[dreg:$0x5] =	wrdreg s31  }
.LBB2_1:
0xc: {  	s0 =	rddreg [dreg:$0x0]  }
0xd: {  	[tilespmem:s4], [sflag:$0x3] =	stream.linear.gather [hbm4b:s0+s4], $0x6000, $0x38;
	[tilespmem:$0x19000] =	vst v63  }
0xe: {  	_ =	swait.ge [sflag:s9], $0x6000  }
0xf: {  	s1 =	simm.s32 $0x1000;
	[sflag:s9] =	ssyncset.done $0x0  }
0x10: {  	s3 =	simm.s32 $0x6000;
	s31 =	rddreg [dreg:$0x4];
	[sflag:s9] =	ssyncadd.s32 $0xFFFFA000  }
0x11: {  	[tilespmem:s3], [sflag:$0x3] =	stream.strided.gather [hbm4b:s31+s1], $0x7000, s11, s1, $0x38;
	[tilespmem:$0x19000] =	vst v63  }
0x12: {  	_ =	swait.ge [sflag:s9], $0x7000  }
0x13: {  	[sflag:s9] =	ssyncset.done $0x0  }
0x14: {  	s19 =	simm.s32 $0x0;
	[sflag:s9] =	ssyncadd.s32 $0xFFFF9000  }
.LBB2_2:
0x15: {  	p0 =	seq.s32 s19, $0x0  }
0x16: {  	s0 =	simm.s32 @!p0 $0x1  }
0x17: {  	s1 =	sshll.u32 s19, $0x9;
	s3 =	sshll.u32 s19, $0x7;
	_ =	swait.ge @!p0 [sflag:s0], $0x6000  }
0x18: {  	s1 =	sand.u32 $0x7000, s1;
	s3 =	sand.u32 $0x380, s3;
	[sflag:s0] =	ssyncset.done @!p0 $0x0  }
0x19: {  	s3 =	sor.u32 s3, s1;
	[sflag:s0] =	ssyncadd.s32 @!p0 $0xFFFFA000  }
0x1a: {  	v1 =	vld [tilespmem:s3+$0x6000];
	_ =	sdelay $0x2  }
0x1b: {  	v2 =	vld [tilespmem:s3+$0x6010]  }
0x1c: {  	v3 =	vld [tilespmem:s3+$0x6020]  }
0x1d: {  	s1 =	simm.s32 $0x0;
	v4 =	vld [tilespmem:s3+$0x6030];
	v14 =	vshll.u32 v1, $0x4  }
0x1e: {  	v5 =	vld [tilespmem:s3+$0x6040];
	v1 =	vor.u32 v0, v14;
	v7 =	vadd.s32 s1, v14  }
0x1f: {  	v6 =	vld [tilespmem:s3+$0x6050];
	v15 =	vand.u32 $0x7F, v1;
	v1 =	vand.u32 $0xFFFFFF80, v7  }
0x20: {  	v8 =	vld [tilespmem:s3+$0x6060];
	v1 =	vor.u32 v15, v1  }
0x21: {  	v9 =	vld [tilespmem:s3+$0x6400]  }
0x22: {  	v10 =	vld [tilespmem:s3+$0x6410]  }
0x23: {  	v13 =	vld [tilespmem:s3+$0x6420];
	v17 =	vshll.u32 v2, $0x4  }
0x24: {  	v27 =	vld [tilespmem:s3+$0x6430];
	v2 =	vor.u32 v0, v17;
	v11 =	vadd.s32 s1, v17  }
0x25: {  	v18 =	vand.u32 $0x7F, v2;
	v12 =	vld.idx.msk [tilespmem:v1+s4+$0x0], $0xffff;
	v1 =	vand.u32 $0xFFFFFF80, v11  }
0x26: {  	v30 =	vld [tilespmem:s3+$0x6440];
	v11 =	vor.u32 v18, v1  }
0x27: {  	v32 =	vld [tilespmem:s3+$0x6450]  }
0x28: {  	s8 =	sand.u32 $0x7800, s1;
	s5 =	sand.u32 $0x380, s1;
	v7 =	vld [tilespmem:s3+$0x6070]  }
0x29: {  	s28 =	sor.u32 s5, s8;
	v19 =	vshll.u32 v3, $0x4;
	v2 =	vld [tilespmem:s3+$0x6460]  }
0x2a: {  	v3 =	vor.u32 v0, v19;
	v1 =	vld [tilespmem:s3+$0x6470];
	[tilespmem:s28+$0xD000] =	vst v12;
	v12 =	vadd.s32 s1, v19  }
0x2b: {  	s24 =	simm.s32 $0x100;
	v20 =	vand.u32 $0x7F, v3;
	v3 =	vld.idx.msk [tilespmem:v11+s4+$0x0], $0xffff;
	v11 =	vand.u32 $0xFFFFFF80, v12  }
0x2c: {  	v12 =	vadd.s32 s24, v14;
	v11 =	vor.u32 v20, v11  }
0x2d: {  	v12 =	vand.u32 $0xFFFFFF80, v12  }
0x2e: {  	v12 =	vor.u32 v15, v12  }
0x2f: {  	v21 =	vshll.u32 v4, $0x4  }
0x30: {  	v4 =	vor.u32 v0, v21;
	[tilespmem:s28+$0xD010] =	vst v3;
	v3 =	vadd.s32 s1, v21  }
0x31: {  	v22 =	vand.u32 $0x7F, v4;
	v4 =	vld.idx.msk [tilespmem:v11+s4+$0x0], $0xffff;
	v3 =	vand.u32 $0xFFFFFF80, v3  }
0x32: {  	v11 =	vadd.s32 s24, v17;
	v3 =	vor.u32 v22, v3  }
0x33: {  	v12 =	vld.idx.msk [tilespmem:v12+s4+$0x0], $0xffff;
	v11 =	vand.u32 $0xFFFFFF80, v11  }
0x34: {  	v11 =	vor.u32 v18, v11  }
0x35: {  	s10 =	simm.s32 $0x80;
	v23 =	vshll.u32 v5, $0x4  }
0x36: {  	s12 =	sand.u32 $0x7800, s24;
	s0 =	sand.u32 $0x380, s10;
	v5 =	vor.u32 v0, v23;
	[tilespmem:s28+$0xD020] =	vst v4;
	v4 =	vadd.s32 s1, v23  }
0x37: {  	s22 =	sor.u32 s0, s12;
	v25 =	vand.u32 $0x7F, v5;
	v3 =	vld.idx.msk [tilespmem:v3+s4+$0x0], $0xffff;
	v4 =	vand.u32 $0xFFFFFF80, v4  }
0x38: {  	v5 =	vadd.s32 s24, v19;
	[tilespmem:s22+$0xD000] =	vst v12;
	v4 =	vor.u32 v25, v4  }
0x39: {  	s21 =	simm.s32 $0x200;
	v5 =	vand.u32 $0xFFFFFF80, v5;
	v11 =	vld.idx.msk [tilespmem:v11+s4+$0x0], $0xffff  }
0x3a: {  	v5 =	vor.u32 v20, v5;
	v12 =	vadd.s32 s21, v14  }
0x3b: {  	v26 =	vshll.u32 v6, $0x4;
	v6 =	vand.u32 $0xFFFFFF80, v12  }
0x3c: {  	s20 =	simm.s32 $0x100;
	v12 =	vor.u32 v0, v26;
	v6 =	vor.u32 v15, v6;
	[tilespmem:s28+$0xD030] =	vst v3;
	v3 =	vadd.s32 s1, v26  }
0x3d: {  	s23 =	sand.u32 $0x7800, s21;
	s0 =	sand.u32 $0x380, s20;
	v28 =	vand.u32 $0x7F, v12;
	v4 =	vld.idx.msk [tilespmem:v4+s4+$0x0], $0xffff;
	v3 =	vand.u32 $0xFFFFFF80, v3  }
0x3e: {  	s20 =	sor.u32 s0, s23;
	s23 =	simm.s32 $0x300;
	[tilespmem:s22+$0xD010] =	vst v11;
	v11 =	vadd.s32 s24, v21;
	v3 =	vor.u32 v28, v3  }
0x3f: {  	v24 =	vshll.u32 v8, $0x4;
	v56 =	vadd.s32 s23, v17;
	v5 =	vld.idx.msk [tilespmem:v5+s4+$0x0], $0xffff;
	v8 =	vand.u32 $0xFFFFFF80, v11  }
0x40: {  	v16 =	vshll.u32 v7, $0x4;
	v7 =	vadd.s32 s21, v17;
	v31 =	vor.u32 v22, v8  }
0x41: {  	v57 =	vadd.s32 s24, v24;
	v59 =	vadd.s32 s21, v23;
	v7 =	vand.u32 $0xFFFFFF80, v7;
	v6 =	vld.idx.msk [tilespmem:v6+s4+$0x0], $0xffff  }
0x42: {  	v7 =	vor.u32 v18, v7;
	v8 =	vor.u32 v0, v24;
	[tilespmem:s28+$0xD040] =	vst v4;
	v4 =	vadd.s32 s1, v24  }
0x43: {  	v52 =	vadd.s32 s21, v24;
	v29 =	vand.u32 $0x7F, v8;
	v3 =	vld.idx.msk [tilespmem:v3+s4+$0x0], $0xffff;
	v4 =	vand.u32 $0xFFFFFF80, v4  }
0x44: {  	v47 =	vadd.s32 s23, v26;
	[tilespmem:s22+$0xD020] =	vst v5;
	v5 =	vadd.s32 s24, v23;
	v4 =	vor.u32 v29, v4  }
0x45: {  	v2 =	vshll.u32 v2, $0x4;
	v8 =	vshll.u32 v13, $0x4;
	v13 =	vld.idx.msk [tilespmem:v31+s4+$0x0], $0xffff;
	v5 =	vand.u32 $0xFFFFFF80, v5  }
0x46: {  	v33 =	vor.u32 v0, v16;
	[tilespmem:s20+$0xD000] =	vst v6;
	v31 =	vadd.s32 s21, v19;
	v35 =	vor.u32 v25, v5  }
0x47: {  	v6 =	vshll.u32 v27, $0x4;
	v27 =	vadd.s32 s23, v14;
	v7 =	vld.idx.msk [tilespmem:v7+s4+$0x0], $0xffff;
	v5 =	vand.u32 $0xFFFFFF80, v31  }
0x48: {  	v36 =	vor.u32 v20, v5;
	v5 =	vadd.s32 s1, v16;
	[tilespmem:s28+$0xD050] =	vst v3;
	v3 =	vand.u32 $0xFFFFFF80, v27  }
0x49: {  	v31 =	vand.u32 $0x7F, v33;
	v4 =	vld.idx.msk [tilespmem:v4+s4+$0x0], $0xffff;
	v27 =	vor.u32 v15, v3;
	v3 =	vand.u32 $0xFFFFFF80, v5  }
0x4a: {  	v5 =	vshll.u32 v30, $0x4;
	[tilespmem:s22+$0xD030] =	vst v13;
	v13 =	vadd.s32 s24, v26;
	v30 =	vor.u32 v31, v3  }
0x4b: {  	v40 =	vor.u32 v0, v2;
	v42 =	vadd.s32 s24, v16;
	v35 =	vld.idx.msk [tilespmem:v35+s4+$0x0], $0xffff;
	v13 =	vand.u32 $0xFFFFFF80, v13  }
0x4c: {  	v12 =	vshll.u32 v9, $0x4;
	[tilespmem:s20+$0xD010] =	vst v7;
	v7 =	vadd.s32 s21, v21;
	v13 =	vor.u32 v28, v13  }
0x4d: {  	v9 =	vor.u32 v0, v12;
	v39 =	vadd.s32 s1, v12;
	v7 =	vand.u32 $0xFFFFFF80, v7;
	v36 =	vld.idx.msk [tilespmem:v36+s4+$0x0], $0xffff  }
0x4e: {  	v3 =	vshll.u32 v32, $0x4;
	v7 =	vor.u32 v22, v7;
	v27 =	vld.idx.msk [tilespmem:v27+s4+$0x0], $0xffff;
	[tilespmem:s28+$0xD060] =	vst v4;
	v4 =	vand.u32 $0xFFFFFF80, v56  }
0x4f: {  	v32 =	vand.u32 $0x7F, v9;
	v9 =	vld.idx.msk [tilespmem:v30+s4+$0x0], $0xffff;
	v4 =	vor.u32 v18, v4;
	v30 =	vand.u32 $0xFFFFFF80, v39  }
0x50: {  	s25 =	simm.s32 $0x180;
	v45 =	vadd.s32 s21, v16;
	v1 =	vshll.u32 v1, $0x4;
	[tilespmem:s22+$0xD040] =	vst v35;
	v39 =	vor.u32 v32, v30  }
0x51: {  	s0 =	sand.u32 $0x380, s25;
	s26 =	sand.u32 $0x7800, s23;
	v58 =	vor.u32 v0, v1;
	v11 =	vshll.u32 v10, $0x4;
	v13 =	vld.idx.msk [tilespmem:v13+s4+$0x0], $0xffff;
	v30 =	vand.u32 $0xFFFFFF80, v57  }
0x52: {  	s25 =	sor.u32 s0, s26;
	v50 =	vadd.s32 s24, v12;
	v10 =	vor.u32 v0, v11;
	[tilespmem:s20+$0xD020] =	vst v36;
	v41 =	vor.u32 v29, v30  }
0x53: {  	v30 =	vand.u32 $0x7F, v10;
	v7 =	vld.idx.msk [tilespmem:v7+s4+$0x0], $0xffff;
	v10 =	vand.u32 $0xFFFFFF80, v59;
	[tilespmem:s25+$0xD000] =	vst v27;
	v27 =	vadd.s32 s23, v19  }
0x54: {  	s26 =	simm.s32 $0x400;
	v36 =	vor.u32 v25, v10;
	v10 =	vadd.s32 s1, v11;
	v4 =	vld.idx.msk [tilespmem:v4+s4+$0x0], $0xffff;
	[tilespmem:s28+$0xD070] =	vst v9;
	v9 =	vand.u32 $0xFFFFFF80, v27  }
0x55: {  	v10 =	vand.u32 $0xFFFFFF80, v10;
	v27 =	vadd.s32 s26, v14;
	v39 =	vld.idx.msk [tilespmem:v39+s4+$0x0], $0xffff;
	v9 =	vor.u32 v20, v9  }
0x56: {  	v34 =	vor.u32 v0, v8;
	v43 =	vor.u32 v30, v10;
	[tilespmem:s22+$0xD050] =	vst v13;
	v13 =	vand.u32 $0xFFFFFF80, v27  }
0x57: {  	v55 =	vor.u32 v0, v6;
	v37 =	vor.u32 v0, v5;
	v61 =	vor.u32 v15, v13  }
0x58: {  	v10 =	vand.u32 $0xFFFFFF80, v42;
	v27 =	vand.u32 $0x7F, v34;
	v60 =	vld.idx.msk [tilespmem:v41+s4+$0x0], $0xffff;
	[tilespmem:s20+$0xD030] =	vst v7;
	v7 =	vadd.s32 s21, v26  }
0x59: {  	v62 =	vor.u32 v31, v10;
	v36 =	vld.idx.msk [tilespmem:v36+s4+$0x0], $0xffff;
	[tilespmem:s25+$0xD010] =	vst v4;
	v4 =	vand.u32 $0xFFFFFF80, v7;
	v7 =	vadd.s32 s23, v21  }
0x5a: {  	v63 =	vld.idx.msk [tilespmem:v9+s4+$0x0], $0xffff;
	v48 =	vor.u32 v28, v4;
	[tilespmem:s28+$0xD400] =	vst v39;
	v4 =	vand.u32 $0xFFFFFF80, v7;
	v7 =	vadd.s32 s1, v8  }
0x5b: {  	v9 =	vadd.s32 s26, v17;
	v39 =	vld.idx.msk [tilespmem:v43+s4+$0x0], $0xffff;
	v49 =	vor.u32 v22, v4;
	v4 =	vand.u32 $0xFFFFFF80, v7  }
0x5c: {  	v38 =	vor.u32 v0, v3;
	v41 =	vld.idx.msk [tilespmem:v61+s4+$0x0], $0xffff;
	v7 =	vand.u32 $0xFFFFFF80, v9;
	v44 =	vor.u32 v27, v4  }
0x5d: {  	v57 =	vadd.s32 s1, v6;
	v10 =	vand.u32 $0x7F, v37;
	[tilespmem:s22+$0xD060] =	vst v60;
	v51 =	vor.u32 v18, v7  }
0x5e: {  	s5 =	simm.s32 $0x200;
	v13 =	vand.u32 $0x7F, v55;
	v55 =	vadd.s32 s23, v23;
	v33 =	vld.idx.msk [tilespmem:v62+s4+$0x0], $0xffff;
	v4 =	vand.u32 $0xFFFFFF80, v50;
	[tilespmem:s20+$0xD040] =	vst v36  }
0x5f: {  	s0 =	sand.u32 $0x380, s5;
	s8 =	sand.u32 $0x7800, s26;
	v34 =	vand.u32 $0xFFFFFF80, v52;
	v37 =	vand.u32 $0xFFFFFF80, v55;
	v53 =	vor.u32 v32, v4;
	v54 =	vld.idx.msk [tilespmem:v48+s4+$0x0], $0xffff;
	[tilespmem:s25+$0xD020] =	vst v63  }
0x60: {  	s29 =	sor.u32 s0, s8;
	v59 =	vadd.s32 s26, v19;
	v34 =	vor.u32 v29, v34;
	v37 =	vor.u32 v25, v37;
	v56 =	vld.idx.msk [tilespmem:v49+s4+$0x0], $0xffff;
	[tilespmem:s28+$0xD410] =	vst v39  }
0x61: {  	s30 =	simm.s32 $0x500;
	v9 =	vand.u32 $0x7F, v38;
	v4 =	vand.u32 $0x7F, v58;
	[tilespmem:s29+$0xD000] =	vst v41;
	v39 =	vand.u32 $0xFFFFFF80, v57;
	v58 =	vld.idx.msk [tilespmem:v44+s4+$0x0], $0xffff  }
0x62: {  	s10 =	simm.s32 $0x280;
	v60 =	vand.u32 $0xFFFFFF80, v59;
	v62 =	vadd.s32 s30, v14;
	v38 =	vld.idx.msk [tilespmem:v51+s4+$0x0], $0xffff;
	v39 =	vor.u32 v13, v39  }
0x63: {  	s12 =	sand.u32 $0x7800, s30;
	s0 =	sand.u32 $0x380, s10;
	v61 =	vadd.s32 s24, v11;
	v63 =	vand.u32 $0xFFFFFF80, v62;
	[tilespmem:s22+$0xD070] =	vst v33;
	v33 =	vor.u32 v20, v60  }
0x64: {  	s31 =	sor.u32 s0, s12;
	s0 =	simm.s32 $0x600;
	v46 =	vand.u32 $0xFFFFFF80, v45;
	v42 =	vand.u32 $0xFFFFFF80, v61;
	v35 =	vor.u32 v15, v63;
	v36 =	vld.idx.msk [tilespmem:v53+s4+$0x0], $0xffff;
	[tilespmem:s20+$0xD050] =	vst v54  }
0x65: {  	v45 =	vadd.s32 s0, v14;
	v7 =	vand.u32 $0x7F, v40;
	v42 =	vor.u32 v30, v42;
	v34 =	vld.idx.msk [tilespmem:v34+s4+$0x0], $0xffff;
	[tilespmem:s25+$0xD030] =	vst v56  }
0x66: {  	v40 =	vor.u32 v31, v46;
	v48 =	vand.u32 $0xFFFFFF80, v47;
	v49 =	vadd.s32 s1, v5;
	v37 =	vld.idx.msk [tilespmem:v37+s4+$0x0], $0xffff;
	[tilespmem:s28+$0xD420] =	vst v58  }
0x67: {  	v41 =	vor.u32 v28, v48;
	v51 =	vadd.s32 s26, v21;
	v43 =	vand.u32 $0xFFFFFF80, v49;
	[tilespmem:s29+$0xD010] =	vst v38;
	v50 =	vld.idx.msk [tilespmem:v39+s4+$0x0], $0xffff  }
0x68: {  	v52 =	vand.u32 $0xFFFFFF80, v51;
	v53 =	vadd.s32 s24, v8;
	v43 =	vor.u32 v10, v43;
	v33 =	vld.idx.msk [tilespmem:v33+s4+$0x0], $0xffff  }
0x69: {  	v54 =	vadd.s32 s30, v17;
	v35 =	vld.idx.msk [tilespmem:v35+s4+$0x0], $0xffff;
	[tilespmem:s22+$0xD400] =	vst v36;
	v36 =	vor.u32 v22, v52;
	v52 =	vand.u32 $0xFFFFFF80, v45  }
0x6a: {  	v55 =	vand.u32 $0xFFFFFF80, v54;
	v39 =	vand.u32 $0xFFFFFF80, v53;
	v42 =	vld.idx.msk [tilespmem:v42+s4+$0x0], $0xffff;
	v54 =	vor.u32 v15, v52;
	[tilespmem:s20+$0xD060] =	vst v34  }
0x6b: {  	v56 =	vadd.s32 s21, v12;
	v39 =	vor.u32 v27, v39;
	v40 =	vld.idx.msk [tilespmem:v40+s4+$0x0], $0xffff;
	[tilespmem:s25+$0xD040] =	vst v37  }
0x6c: {  	v57 =	vand.u32 $0xFFFFFF80, v56;
	v58 =	vadd.s32 s23, v24;
	v34 =	vor.u32 v18, v55;
	v41 =	vld.idx.msk [tilespmem:v41+s4+$0x0], $0xffff;
	[tilespmem:s28+$0xD430] =	vst v50  }
0x6d: {  	v60 =	vadd.s32 s1, v3;
	v59 =	vand.u32 $0xFFFFFF80, v58;
	v37 =	vor.u32 v32, v57;
	[tilespmem:s29+$0xD020] =	vst v33;
	v61 =	vld.idx.msk [tilespmem:v43+s4+$0x0], $0xffff  }
0x6e: {  	v62 =	vadd.s32 s26, v23;
	v44 =	vand.u32 $0xFFFFFF80, v60;
	v38 =	vor.u32 v29, v59;
	v36 =	vld.idx.msk [tilespmem:v36+s4+$0x0], $0xffff  }
0x6f: {  	v63 =	vand.u32 $0xFFFFFF80, v62;
	v48 =	vadd.s32 s24, v6;
	v44 =	vor.u32 v9, v44;
	[tilespmem:s22+$0xD410] =	vst v42;
	v33 =	vld.idx.msk [tilespmem:v54+s4+$0x0], $0xffff  }
0x70: {  	[tilespmem:s31+$0xD000] =	vst v35;
	v50 =	vadd.s32 s30, v19;
	v42 =	vor.u32 v25, v63;
	v43 =	vand.u32 $0xFFFFFF80, v48;
	v49 =	vld.idx.msk [tilespmem:v39+s4+$0x0], $0xffff  }
0x71: {  	v51 =	vadd.s32 s21, v11;
	v39 =	vand.u32 $0xFFFFFF80, v50;
	v43 =	vor.u32 v13, v43;
	v34 =	vld.idx.msk [tilespmem:v34+s4+$0x0], $0xffff;
	[tilespmem:s20+$0xD070] =	vst v40  }
0x72: {  	v53 =	vadd.s32 s23, v16;
	v39 =	vor.u32 v20, v39;
	v40 =	vand.u32 $0xFFFFFF80, v51;
	v37 =	vld.idx.msk [tilespmem:v37+s4+$0x0], $0xffff;
	[tilespmem:s25+$0xD050] =	vst v41  }
0x73: {  	v55 =	vand.u32 $0xFFFFFF80, v53;
	v57 =	vadd.s32 s1, v2;
	v40 =	vor.u32 v30, v40;
	v38 =	vld.idx.msk [tilespmem:v38+s4+$0x0], $0xffff;
	[tilespmem:s28+$0xD440] =	vst v61  }
0x74: {  	v58 =	vadd.s32 s26, v26;
	v59 =	vand.u32 $0xFFFFFF80, v57;
	[tilespmem:s29+$0xD030] =	vst v36;
	v36 =	vor.u32 v31, v55;
	v56 =	vld.idx.msk [tilespmem:v44+s4+$0x0], $0xffff  }
0x75: {  	v46 =	vadd.s32 s0, v17;
	v60 =	vand.u32 $0xFFFFFF80, v58;
	v35 =	vor.u32 v7, v59;
	v42 =	vld.idx.msk [tilespmem:v42+s4+$0x0], $0xffff;
	[tilespmem:s22+$0xD420] =	vst v49  }
0x76: {  	v51 =	vand.u32 $0xFFFFFF80, v46;
	v61 =	vadd.s32 s24, v5;
	[tilespmem:s31+$0xD010] =	vst v34;
	v43 =	vld.idx.msk [tilespmem:v43+s4+$0x0], $0xffff;
	v34 =	vor.u32 v28, v60  }
0x77: {  	v62 =	vadd.s32 s30, v21;
	v45 =	vor.u32 v18, v51;
	v63 =	vand.u32 $0xFFFFFF80, v61;
	v39 =	vld.idx.msk [tilespmem:v39+s4+$0x0], $0xffff;
	[tilespmem:s20+$0xD400] =	vst v37  }
0x78: {  	s12 =	simm.s32 $0x300;
	v48 =	vand.u32 $0xFFFFFF80, v62;
	v49 =	vadd.s32 s21, v8;
	v37 =	vor.u32 v10, v63;
	v40 =	vld.idx.msk [tilespmem:v40+s4+$0x0], $0xffff;
	[tilespmem:s25+$0xD060] =	vst v38  }
0x79: {  	s8 =	sand.u32 $0x7800, s0;
	s10 =	sand.u32 $0x380, s12;
	v53 =	vadd.s32 s23, v12;
	v44 =	vor.u32 v22, v48;
	v50 =	vand.u32 $0xFFFFFF80, v49;
	v52 =	vld.idx.msk [tilespmem:v36+s4+$0x0], $0xffff;
	[tilespmem:s28+$0xD450] =	vst v56  }
0x7a: {  	v54 =	vadd.s32 s1, v1;
	s1 =	sor.u32 s10, s8;
	v38 =	vor.u32 v27, v50;
	[tilespmem:s29+$0xD040] =	vst v42;
	v36 =	vand.u32 $0xFFFFFF80, v53;
	v47 =	vld.idx.msk [tilespmem:v35+s4+$0x0], $0xffff  }
0x7b: {  	v55 =	vadd.s32 s26, v24;
	[tilespmem:s1+$0xD000] =	vst v33;
	v34 =	vld.idx.msk [tilespmem:v34+s4+$0x0], $0xffff;
	v48 =	vor.u32 v32, v36;
	v35 =	vand.u32 $0xFFFFFF80, v54  }
0x7c: {  	v57 =	vadd.s32 s24, v3;
	v56 =	vand.u32 $0xFFFFFF80, v55;
	[tilespmem:s22+$0xD430] =	vst v43;
	v43 =	vld.idx.msk [tilespmem:v45+s4+$0x0], $0xffff;
	v49 =	vor.u32 v4, v35  }
0x7d: {  	v58 =	vadd.s32 s30, v23;
	[tilespmem:s31+$0xD020] =	vst v39;
	v39 =	vor.u32 v29, v56;
	v36 =	vld.idx.msk [tilespmem:v37+s4+$0x0], $0xffff;
	v37 =	vand.u32 $0xFFFFFF80, v57  }
0x7e: {  	v59 =	vand.u32 $0xFFFFFF80, v58;
	v60 =	vadd.s32 s21, v6;
	v41 =	vld.idx.msk [tilespmem:v44+s4+$0x0], $0xffff;
	[tilespmem:s20+$0xD410] =	vst v40;
	v37 =	vor.u32 v9, v37  }
0x7f: {  	v61 =	vadd.s32 s0, v19;
	v62 =	vand.u32 $0xFFFFFF80, v60;
	v42 =	vor.u32 v25, v59;
	v35 =	vld.idx.msk [tilespmem:v38+s4+$0x0], $0xffff;
	[tilespmem:s25+$0xD070] =	vst v52  }
0x80: {  	s10 =	simm.s32 $0x700;
	v63 =	vadd.s32 s23, v11;
	v33 =	vor.u32 v13, v62;
	v40 =	vand.u32 $0xFFFFFF80, v61;
	v38 =	vld.idx.msk [tilespmem:v48+s4+$0x0], $0xffff;
	[tilespmem:s28+$0xD460] =	vst v47  }
0x81: {  	s5 =	simm.s32 $0x800;
	s3 =	sadd.s32 $0x6000, s3;
	v45 =	vadd.s32 s10, v14;
	v44 =	vor.u32 v20, v40;
	v40 =	vand.u32 $0xFFFFFF80, v63;
	[tilespmem:s29+$0xD050] =	vst v34;
	v34 =	vld.idx.msk [tilespmem:v49+s4+$0x0], $0xffff  }
.LBB2_3:
0x82: {  	p1 =	sne.s32 s5, $0x5F00;
	v45 =	vand.u32 $0xFFFFFF80, v45;
	v39 =	vld.idx.msk [tilespmem:v39+s4+$0x0], $0xffff;
	v46 =	vadd.s32 s26, v16;
	v40 =	vor.u32 v30, v40;
	[tilespmem:s22+$0xD440] =	vst v36  }
0x83: {  	v36 =	vor.u32 v15, v45;
	[tilespmem:s31+$0xD030] =	vst v41;
	v41 =	vand.u32 $0xFFFFFF80, v46;
	v37 =	vld.idx.msk [tilespmem:v37+s4+$0x0], $0xffff;
	v45 =	vadd.s32 s24, v2  }
0x84: {  	v46 =	vadd.s32 s30, v26;
	v42 =	vld.idx.msk [tilespmem:v42+s4+$0x0], $0xffff;
	v41 =	vor.u32 v31, v41;
	[tilespmem:s20+$0xD420] =	vst v35;
	v35 =	vand.u32 $0xFFFFFF80, v45  }
0x85: {  	v45 =	vadd.s32 s21, v5;
	[tilespmem:s1+$0xD010] =	vst v43;
	v43 =	vand.u32 $0xFFFFFF80, v46;
	v33 =	vld.idx.msk [tilespmem:v33+s4+$0x0], $0xffff;
	v35 =	vor.u32 v7, v35  }
0x86: {  	v46 =	vadd.s32 s0, v21;
	v44 =	vld.idx.msk [tilespmem:v44+s4+$0x0], $0xffff;
	v43 =	vor.u32 v28, v43;
	[tilespmem:s25+$0xD400] =	vst v38;
	v38 =	vand.u32 $0xFFFFFF80, v45  }
0x87: {  	v45 =	vand.u32 $0xFFFFFF80, v46;
	v46 =	vadd.s32 s23, v8;
	v40 =	vld.idx.msk [tilespmem:v40+s4+$0x0], $0xffff;
	v38 =	vor.u32 v10, v38;
	[tilespmem:s28+$0xD470] =	vst v34;
	s28 =	smov.u32 s22;
	s22 =	smov.u32 s20;
	s20 =	smov.u32 s25  }
0x88: {  	v45 =	vor.u32 v22, v45;
	s25 =	smov.u32 s29;
	v34 =	vld.idx.msk [tilespmem:v36+s4+$0x0], $0xffff;
	v36 =	vadd.s32 s10, v17;
	[tilespmem:s29+$0xD060] =	vst v39;
	v39 =	vand.u32 $0xFFFFFF80, v46;
	s29 =	smov.u32 s31;
	s31 =	smov.u32 s1  }
0x89: {  	v36 =	vand.u32 $0xFFFFFF80, v36;
	v46 =	vld.idx.msk [tilespmem:v41+s4+$0x0], $0xffff;
	v41 =	vadd.s32 s26, v12;
	v47 =	vor.u32 v27, v39;
	[tilespmem:s28+$0xD450] =	vst v37  }
0x8a: {  	v48 =	vor.u32 v18, v36;
	[tilespmem:s29+$0xD040] =	vst v42;
	v36 =	vand.u32 $0xFFFFFF80, v41;
	v49 =	vld.idx.msk [tilespmem:v35+s4+$0x0], $0xffff;
	v35 =	vadd.s32 s24, v1;
	s24 =	smov.u32 s21;
	s21 =	smov.u32 s23;
	s23 =	smov.u32 s26  }
0x8b: {  	s12 =	sadd.s32 $0x80, s12;
	v37 =	vadd.s32 s30, v24;
	s26 =	smov.u32 s30;
	s30 =	smov.u32 s0;
	v50 =	vld.idx.msk [tilespmem:v43+s4+$0x0], $0xffff;
	v51 =	vor.u32 v32, v36;
	[tilespmem:s22+$0xD430] =	vst v33;
	v33 =	vand.u32 $0xFFFFFF80, v35  }
0x8c: {  	s8 =	sand.u32 $0x380, s12;
	s1 =	sand.u32 $0x7800, s10;
	s0 =	smov.u32 s10;
	v35 =	vand.u32 $0xFFFFFF80, v37;
	v37 =	vadd.s32 s24, v3;
	[tilespmem:s31+$0xD020] =	vst v44;
	v36 =	vld.idx.msk [tilespmem:v38+s4+$0x0], $0xffff;
	v52 =	vor.u32 v4, v33  }
.Ltmp0:
0x8d: {  	s1 =	sor.u32 s8, s1;
	s10 =	smov.u32 s5;
	v33 =	vadd.s32 s30, v23;
	v39 =	vor.u32 v29, v35;
	v37 =	vand.u32 $0xFFFFFF80, v37;
	v41 =	vld.idx.msk [tilespmem:v45+s4+$0x0], $0xffff;
	[tilespmem:s20+$0xD410] =	vst v40;
	(pc) =	sbr.rel @p1 .LBB2_3-.Ltmp0, $4  }
0x8e: {  	v33 =	vand.u32 $0xFFFFFF80, v33;
	v37 =	vor.u32 v9, v37;
	[tilespmem:s1+$0xD000] =	vst v34;
	v35 =	vld.idx.msk [tilespmem:v47+s4+$0x0], $0xffff;
	v34 =	vadd.s32 s21, v6  }
0x8f: {  	v38 =	vadd.s32 s0, v19;
	v42 =	vor.u32 v25, v33;
	v43 =	vld.idx.msk [tilespmem:v48+s4+$0x0], $0xffff;
	[tilespmem:s25+$0xD070] =	vst v46;
	v33 =	vand.u32 $0xFFFFFF80, v34  }
0x90: {  	v40 =	vadd.s32 s23, v11;
	v34 =	vand.u32 $0xFFFFFF80, v38;
	v38 =	vld.idx.msk [tilespmem:v51+s4+$0x0], $0xffff;
	v33 =	vor.u32 v13, v33;
	[tilespmem:s28+$0xD460] =	vst v49  }
0x91: {  	s5 =	sadd.s32 $0x100, s5;
	v45 =	vadd.s32 s10, v14;
	v40 =	vand.u32 $0xFFFFFF80, v40;
	v44 =	vor.u32 v20, v34;
	[tilespmem:s29+$0xD050] =	vst v50;
	v34 =	vld.idx.msk [tilespmem:v52+s4+$0x0], $0xffff  }
0x92: {  	v14 =	vand.u32 $0xFFFFFF80, v45  }
0x93: {  	v14 =	vor.u32 v15, v14;
	_ =	sdelay $0x3  }
0x94: {  	v15 =	vadd.s32 s10, v17  }
0x95: {  	v15 =	vand.u32 $0xFFFFFF80, v15;
	v14 =	vld.idx.msk [tilespmem:v14+s4+$0x0], $0xffff  }
0x96: {  	v15 =	vor.u32 v18, v15  }
0x97: {  	s5 =	sadd.s32 $0x80, s12  }
0x98: {  	s8 =	sand.u32 $0x7800, s10;
	s5 =	sand.u32 $0x380, s5  }
0x99: {  	s8 =	sor.u32 s5, s8  }
0x9a: {  	[tilespmem:s8+$0xD000] =	vst v14;
	v14 =	vadd.s32 s10, v19  }
0x9b: {  	v15 =	vld.idx.msk [tilespmem:v15+s4+$0x0], $0xffff;
	v14 =	vand.u32 $0xFFFFFF80, v14  }
0x9c: {  	v14 =	vor.u32 v20, v14;
	_ =	sdelay $0x2  }
0x9d: {  	v17 =	vadd.s32 s0, v21;
	[tilespmem:s1+$0xD010] =	vst v43  }
0x9e: {  	v17 =	vand.u32 $0xFFFFFF80, v17;
	v18 =	vld.idx.msk [tilespmem:v44+s4+$0x0], $0xffff;
	[tilespmem:s8+$0xD010] =	vst v15;
	v15 =	vadd.s32 s10, v21  }
0x9f: {  	v17 =	vor.u32 v22, v17;
	v14 =	vld.idx.msk [tilespmem:v14+s4+$0x0], $0xffff;
	v15 =	vand.u32 $0xFFFFFF80, v15  }
0xa0: {  	v15 =	vor.u32 v22, v15;
	_ =	sdelay $0x2  }
0xa1: {  	[tilespmem:s1+$0xD020] =	vst v18;
	v18 =	vadd.s32 s0, v23  }
0xa2: {  	v17 =	vld.idx.msk [tilespmem:v17+s4+$0x0], $0xffff;
	v18 =	vand.u32 $0xFFFFFF80, v18;
	[tilespmem:s8+$0xD020] =	vst v14;
	v14 =	vadd.s32 s10, v23  }
0xa3: {  	v18 =	vor.u32 v25, v18;
	v15 =	vld.idx.msk [tilespmem:v15+s4+$0x0], $0xffff;
	v14 =	vand.u32 $0xFFFFFF80, v14  }
0xa4: {  	v14 =	vor.u32 v25, v14;
	_ =	sdelay $0x1  }
0xa5: {  	[tilespmem:s31+$0xD030] =	vst v41;
	v19 =	vadd.s32 s30, v26  }
0xa6: {  	v19 =	vand.u32 $0xFFFFFF80, v19;
	v20 =	vld.idx.msk [tilespmem:v42+s4+$0x0], $0xffff;
	[tilespmem:s1+$0xD030] =	vst v17;
	v17 =	vadd.s32 s0, v26  }
0xa7: {  	v19 =	vor.u32 v28, v19;
	v18 =	vld.idx.msk [tilespmem:v18+s4+$0x0], $0xffff;
	v17 =	vand.u32 $0xFFFFFF80, v17;
	[tilespmem:s8+$0xD030] =	vst v15;
	v15 =	vadd.s32 s10, v26  }
0xa8: {  	v17 =	vor.u32 v28, v17;
	v14 =	vld.idx.msk [tilespmem:v14+s4+$0x0], $0xffff;
	v15 =	vand.u32 $0xFFFFFF80, v15  }
0xa9: {  	v15 =	vor.u32 v28, v15;
	_ =	sdelay $0x1  }
0xaa: {  	[tilespmem:s31+$0xD040] =	vst v20;
	v20 =	vadd.s32 s30, v24  }
0xab: {  	v19 =	vld.idx.msk [tilespmem:v19+s4+$0x0], $0xffff;
	v20 =	vand.u32 $0xFFFFFF80, v20;
	[tilespmem:s1+$0xD040] =	vst v18;
	v18 =	vadd.s32 s0, v24  }
0xac: {  	v20 =	vor.u32 v29, v20;
	v17 =	vld.idx.msk [tilespmem:v17+s4+$0x0], $0xffff;
	v18 =	vand.u32 $0xFFFFFF80, v18;
	[tilespmem:s8+$0xD040] =	vst v14;
	v14 =	vadd.s32 s10, v24  }
0xad: {  	v18 =	vor.u32 v29, v18;
	v15 =	vld.idx.msk [tilespmem:v15+s4+$0x0], $0xffff;
	v14 =	vand.u32 $0xFFFFFF80, v14  }
0xae: {  	v14 =	vor.u32 v29, v14  }
0xaf: {  	v21 =	vadd.s32 s26, v16  }
0xb0: {  	v21 =	vand.u32 $0xFFFFFF80, v21;
	v22 =	vld.idx.msk [tilespmem:v39+s4+$0x0], $0xffff;
	[tilespmem:s31+$0xD050] =	vst v19;
	v19 =	vadd.s32 s30, v16  }
0xb1: {  	v21 =	vor.u32 v31, v21;
	v20 =	vld.idx.msk [tilespmem:v20+s4+$0x0], $0xffff;
	v19 =	vand.u32 $0xFFFFFF80, v19;
	[tilespmem:s1+$0xD050] =	vst v17;
	v17 =	vadd.s32 s0, v16  }
0xb2: {  	v19 =	vor.u32 v31, v19;
	v18 =	vld.idx.msk [tilespmem:v18+s4+$0x0], $0xffff;
	v17 =	vand.u32 $0xFFFFFF80, v17;
	[tilespmem:s8+$0xD050] =	vst v15;
	v15 =	vadd.s32 s10, v16  }
0xb3: {  	v16 =	vor.u32 v31, v17;
	v14 =	vld.idx.msk [tilespmem:v14+s4+$0x0], $0xffff;
	v15 =	vand.u32 $0xFFFFFF80, v15  }
0xb4: {  	[tilespmem:s22+$0xD440] =	vst v36;
	v15 =	vor.u32 v31, v15  }
0xb5: {  	[tilespmem:s29+$0xD060] =	vst v22;
	v17 =	vadd.s32 s26, v12  }
0xb6: {  	v21 =	vld.idx.msk [tilespmem:v21+s4+$0x0], $0xffff;
	[tilespmem:s31+$0xD060] =	vst v20;
	v20 =	vadd.s32 s30, v12;
	v17 =	vand.u32 $0xFFFFFF80, v17  }
0xb7: {  	v19 =	vld.idx.msk [tilespmem:v19+s4+$0x0], $0xffff;
	v20 =	vand.u32 $0xFFFFFF80, v20;
	[tilespmem:s1+$0xD060] =	vst v18;
	v18 =	vadd.s32 s0, v12;
	v17 =	vor.u32 v32, v17  }
0xb8: {  	v20 =	vor.u32 v32, v20;
	v18 =	vand.u32 $0xFFFFFF80, v18;
	v12 =	vadd.s32 s10, v12;
	v16 =	vld.idx.msk [tilespmem:v16+s4+$0x0], $0xffff;
	[tilespmem:s8+$0xD060] =	vst v14  }
0xb9: {  	[tilespmem:s20+$0xD420] =	vst v35;
	v12 =	vand.u32 $0xFFFFFF80, v12;
	v14 =	vor.u32 v32, v18;
	v15 =	vld.idx.msk [tilespmem:v15+s4+$0x0], $0xffff  }
0xba: {  	[tilespmem:s25+$0xD400] =	vst v38;
	v12 =	vor.u32 v32, v12  }
0xbb: {  	[tilespmem:s29+$0xD070] =	vst v21;
	v21 =	vadd.s32 s26, v11;
	v18 =	vld.idx.msk [tilespmem:v37+s4+$0x0], $0xffff  }
0xbc: {  	v22 =	vor.u32 v30, v40;
	v21 =	vand.u32 $0xFFFFFF80, v21;
	[tilespmem:s31+$0xD070] =	vst v19;
	v19 =	vadd.s32 s30, v11;
	v17 =	vld.idx.msk [tilespmem:v17+s4+$0x0], $0xffff  }
0xbd: {  	v21 =	vor.u32 v30, v21;
	v20 =	vld.idx.msk [tilespmem:v20+s4+$0x0], $0xffff;
	v19 =	vand.u32 $0xFFFFFF80, v19;
	[tilespmem:s1+$0xD070] =	vst v16;
	v16 =	vadd.s32 s0, v11  }
0xbe: {  	v19 =	vor.u32 v30, v19;
	v11 =	vadd.s32 s10, v11;
	v14 =	vld.idx.msk [tilespmem:v14+s4+$0x0], $0xffff;
	v16 =	vand.u32 $0xFFFFFF80, v16;
	[tilespmem:s8+$0xD070] =	vst v15  }
0xbf: {  	[tilespmem:s28+$0xD470] =	vst v34;
	v11 =	vand.u32 $0xFFFFFF80, v11;
	v15 =	vadd.s32 s24, v2;
	v16 =	vor.u32 v30, v16;
	v12 =	vld.idx.msk [tilespmem:v12+s4+$0x0], $0xffff  }
0xc0: {  	v23 =	vld.idx.msk [tilespmem:v33+s4+$0x0], $0xffff;
	v24 =	vadd.s32 s23, v8;
	[tilespmem:s22+$0xD450] =	vst v18;
	v11 =	vor.u32 v30, v11;
	v15 =	vand.u32 $0xFFFFFF80, v15  }
0xc1: {  	v18 =	vld.idx.msk [tilespmem:v22+s4+$0x0], $0xffff;
	v22 =	vand.u32 $0xFFFFFF80, v24;
	[tilespmem:s29+$0xD400] =	vst v17;
	v17 =	vadd.s32 s26, v8;
	v15 =	vor.u32 v7, v15  }
0xc2: {  	[tilespmem:s31+$0xD400] =	vst v20;
	v20 =	vadd.s32 s30, v8;
	v22 =	vor.u32 v27, v22;
	v21 =	vld.idx.msk [tilespmem:v21+s4+$0x0], $0xffff;
	v17 =	vand.u32 $0xFFFFFF80, v17  }
0xc3: {  	v19 =	vld.idx.msk [tilespmem:v19+s4+$0x0], $0xffff;
	v20 =	vand.u32 $0xFFFFFF80, v20;
	v17 =	vor.u32 v27, v17;
	[tilespmem:s1+$0xD400] =	vst v14;
	v14 =	vadd.s32 s0, v8  }
0xc4: {  	v20 =	vor.u32 v27, v20;
	v8 =	vadd.s32 s10, v8;
	v16 =	vld.idx.msk [tilespmem:v16+s4+$0x0], $0xffff;
	v14 =	vand.u32 $0xFFFFFF80, v14;
	[tilespmem:s8+$0xD400] =	vst v12  }
0xc5: {  	[tilespmem:s20+$0xD430] =	vst v23;
	v8 =	vand.u32 $0xFFFFFF80, v8;
	v12 =	vadd.s32 s21, v5;
	v14 =	vor.u32 v27, v14;
	v11 =	vld.idx.msk [tilespmem:v11+s4+$0x0], $0xffff  }
0xc6: {  	[tilespmem:s25+$0xD410] =	vst v18;
	v18 =	vadd.s32 s23, v6;
	v8 =	vor.u32 v27, v8;
	v12 =	vand.u32 $0xFFFFFF80, v12;
	v15 =	vld.idx.msk [tilespmem:v15+s4+$0x0], $0xffff  }
0xc7: {  	v22 =	vld.idx.msk [tilespmem:v22+s4+$0x0], $0xffff;
	v18 =	vand.u32 $0xFFFFFF80, v18;
	[tilespmem:s29+$0xD410] =	vst v21;
	v21 =	vadd.s32 s26, v6;
	v12 =	vor.u32 v10, v12  }
0xc8: {  	[tilespmem:s31+$0xD410] =	vst v19;
	v19 =	vadd.s32 s30, v6;
	v18 =	vor.u32 v13, v18;
	v17 =	vld.idx.msk [tilespmem:v17+s4+$0x0], $0xffff;
	v21 =	vand.u32 $0xFFFFFF80, v21  }
0xc9: {  	v20 =	vld.idx.msk [tilespmem:v20+s4+$0x0], $0xffff;
	v19 =	vand.u32 $0xFFFFFF80, v19;
	v21 =	vor.u32 v13, v21;
	[tilespmem:s1+$0xD410] =	vst v16;
	v16 =	vadd.s32 s0, v6  }
0xca: {  	v19 =	vor.u32 v13, v19;
	v6 =	vadd.s32 s10, v6;
	v14 =	vld.idx.msk [tilespmem:v14+s4+$0x0], $0xffff;
	v16 =	vand.u32 $0xFFFFFF80, v16;
	[tilespmem:s8+$0xD410] =	vst v11  }
0xcb: {  	v6 =	vand.u32 $0xFFFFFF80, v6;
	v11 =	vadd.s32 s24, v1;
	[tilespmem:s22+$0xD460] =	vst v15;
	v15 =	vor.u32 v13, v16;
	v8 =	vld.idx.msk [tilespmem:v8+s4+$0x0], $0xffff  }
0xcc: {  	[tilespmem:s25+$0xD420] =	vst v22;
	v16 =	vadd.s32 s23, v5;
	v6 =	vor.u32 v13, v6;
	v11 =	vand.u32 $0xFFFFFF80, v11;
	v12 =	vld.idx.msk [tilespmem:v12+s4+$0x0], $0xffff  }
0xcd: {  	v13 =	vld.idx.msk [tilespmem:v18+s4+$0x0], $0xffff;
	[tilespmem:s29+$0xD420] =	vst v17;
	v17 =	vadd.s32 s26, v5;
	v16 =	vand.u32 $0xFFFFFF80, v16;
	v11 =	vor.u32 v4, v11  }
0xce: {  	[tilespmem:s31+$0xD420] =	vst v20;
	v20 =	vadd.s32 s30, v5;
	v18 =	vld.idx.msk [tilespmem:v21+s4+$0x0], $0xffff;
	v17 =	vand.u32 $0xFFFFFF80, v17;
	v16 =	vor.u32 v10, v16  }
0xcf: {  	v19 =	vld.idx.msk [tilespmem:v19+s4+$0x0], $0xffff;
	v20 =	vand.u32 $0xFFFFFF80, v20;
	v17 =	vor.u32 v10, v17;
	[tilespmem:s1+$0xD420] =	vst v14;
	v14 =	vadd.s32 s0, v5  }
0xd0: {  	v20 =	vor.u32 v10, v20;
	v5 =	vadd.s32 s10, v5;
	v15 =	vld.idx.msk [tilespmem:v15+s4+$0x0], $0xffff;
	v14 =	vand.u32 $0xFFFFFF80, v14;
	[tilespmem:s8+$0xD420] =	vst v8  }
0xd1: {  	v5 =	vand.u32 $0xFFFFFF80, v5;
	v8 =	vadd.s32 s21, v3;
	[tilespmem:s20+$0xD440] =	vst v12;
	v12 =	vor.u32 v10, v14;
	v6 =	vld.idx.msk [tilespmem:v6+s4+$0x0], $0xffff  }
0xd2: {  	[tilespmem:s25+$0xD430] =	vst v13;
	v13 =	vadd.s32 s23, v3;
	v5 =	vor.u32 v10, v5;
	v8 =	vand.u32 $0xFFFFFF80, v8;
	v11 =	vld.idx.msk [tilespmem:v11+s4+$0x0], $0xffff  }
0xd3: {  	v13 =	vand.u32 $0xFFFFFF80, v13;
	[tilespmem:s29+$0xD430] =	vst v18;
	v14 =	vadd.s32 s26, v3;
	v10 =	vld.idx.msk [tilespmem:v16+s4+$0x0], $0xffff;
	v8 =	vor.u32 v9, v8  }
0xd4: {  	[tilespmem:s31+$0xD430] =	vst v19;
	v13 =	vor.u32 v9, v13;
	v16 =	vld.idx.msk [tilespmem:v17+s4+$0x0], $0xffff;
	v14 =	vand.u32 $0xFFFFFF80, v14;
	v17 =	vadd.s32 s30, v3  }
0xd5: {  	v18 =	vld.idx.msk [tilespmem:v20+s4+$0x0], $0xffff;
	v14 =	vor.u32 v9, v14;
	v17 =	vand.u32 $0xFFFFFF80, v17;
	[tilespmem:s1+$0xD430] =	vst v15;
	v15 =	vadd.s32 s0, v3  }
0xd6: {  	v17 =	vor.u32 v9, v17;
	v3 =	vadd.s32 s10, v3;
	v12 =	vld.idx.msk [tilespmem:v12+s4+$0x0], $0xffff;
	v15 =	vand.u32 $0xFFFFFF80, v15;
	[tilespmem:s8+$0xD430] =	vst v6  }
0xd7: {  	v3 =	vand.u32 $0xFFFFFF80, v3;
	v6 =	vadd.s32 s21, v2;
	[tilespmem:s22+$0xD470] =	vst v11;
	v11 =	vor.u32 v9, v15;
	v5 =	vld.idx.msk [tilespmem:v5+s4+$0x0], $0xffff  }
0xd8: {  	[tilespmem:s25+$0xD440] =	vst v10;
	v10 =	vadd.s32 s23, v2;
	v3 =	vor.u32 v9, v3;
	v8 =	vld.idx.msk [tilespmem:v8+s4+$0x0], $0xffff;
	v6 =	vand.u32 $0xFFFFFF80, v6  }
0xd9: {  	[tilespmem:s29+$0xD440] =	vst v16;
	v9 =	vld.idx.msk [tilespmem:v13+s4+$0x0], $0xffff;
	v10 =	vand.u32 $0xFFFFFF80, v10;
	v13 =	vadd.s32 s26, v2;
	v6 =	vor.u32 v7, v6  }
0xda: {  	[tilespmem:s31+$0xD440] =	vst v18;
	v15 =	vadd.s32 s30, v2;
	v14 =	vld.idx.msk [tilespmem:v14+s4+$0x0], $0xffff;
	v10 =	vor.u32 v7, v10;
	v13 =	vand.u32 $0xFFFFFF80, v13  }
0xdb: {  	v15 =	vand.u32 $0xFFFFFF80, v15;
	v16 =	vld.idx.msk [tilespmem:v17+s4+$0x0], $0xffff;
	v13 =	vor.u32 v7, v13;
	[tilespmem:s1+$0xD440] =	vst v12;
	v12 =	vadd.s32 s0, v2  }
0xdc: {  	v15 =	vor.u32 v7, v15;
	v2 =	vadd.s32 s10, v2;
	v11 =	vld.idx.msk [tilespmem:v11+s4+$0x0], $0xffff;
	v12 =	vand.u32 $0xFFFFFF80, v12;
	[tilespmem:s8+$0xD440] =	vst v5  }
0xdd: {  	v2 =	vand.u32 $0xFFFFFF80, v2;
	[tilespmem:s20+$0xD450] =	vst v8;
	v5 =	vadd.s32 s21, v1;
	v8 =	vor.u32 v7, v12;
	v3 =	vld.idx.msk [tilespmem:v3+s4+$0x0], $0xffff  }
0xde: {  	[tilespmem:s25+$0xD450] =	vst v9;
	v9 =	vadd.s32 s23, v1;
	v2 =	vor.u32 v7, v2;
	v6 =	vld.idx.msk [tilespmem:v6+s4+$0x0], $0xffff;
	v5 =	vand.u32 $0xFFFFFF80, v5  }
0xdf: {  	[tilespmem:s29+$0xD450] =	vst v14;
	v7 =	vld.idx.msk [tilespmem:v10+s4+$0x0], $0xffff;
	v9 =	vand.u32 $0xFFFFFF80, v9;
	v10 =	vadd.s32 s26, v1;
	v5 =	vor.u32 v4, v5  }
0xe0: {  	[tilespmem:s31+$0xD450] =	vst v16;
	v9 =	vor.u32 v4, v9;
	v12 =	vld.idx.msk [tilespmem:v13+s4+$0x0], $0xffff;
	v10 =	vand.u32 $0xFFFFFF80, v10;
	v13 =	vadd.s32 s30, v1  }
0xe1: {  	v14 =	vld.idx.msk [tilespmem:v15+s4+$0x0], $0xffff;
	v10 =	vor.u32 v4, v10;
	v13 =	vand.u32 $0xFFFFFF80, v13;
	[tilespmem:s1+$0xD450] =	vst v11;
	v11 =	vadd.s32 s0, v1  }
0xe2: {  	v13 =	vor.u32 v4, v13;
	v1 =	vadd.s32 s10, v1;
	v8 =	vld.idx.msk [tilespmem:v8+s4+$0x0], $0xffff;
	v11 =	vand.u32 $0xFFFFFF80, v11;
	[tilespmem:s8+$0xD450] =	vst v3  }
0xe3: {  	v1 =	vand.u32 $0xFFFFFF80, v1;
	[tilespmem:s20+$0xD460] =	vst v6;
	v3 =	vor.u32 v4, v11;
	v2 =	vld.idx.msk [tilespmem:v2+s4+$0x0], $0xffff  }
0xe4: {  	[tilespmem:s25+$0xD460] =	vst v7;
	v1 =	vor.u32 v4, v1;
	v5 =	vld.idx.msk [tilespmem:v5+s4+$0x0], $0xffff  }
0xe5: {  	v4 =	vld.idx.msk [tilespmem:v9+s4+$0x0], $0xffff;
	[tilespmem:s29+$0xD460] =	vst v12  }
0xe6: {  	[tilespmem:s31+$0xD460] =	vst v14;
	v6 =	vld.idx.msk [tilespmem:v10+s4+$0x0], $0xffff  }
0xe7: {  	v7 =	vld.idx.msk [tilespmem:v13+s4+$0x0], $0xffff;
	[tilespmem:s1+$0xD460] =	vst v8  }
0xe8: {  	v3 =	vld.idx.msk [tilespmem:v3+s4+$0x0], $0xffff;
	[tilespmem:s8+$0xD460] =	vst v2  }
0xe9: {  	[tilespmem:s20+$0xD470] =	vst v5;
	v1 =	vld.idx.msk [tilespmem:v1+s4+$0x0], $0xffff  }
0xea: {  	[tilespmem:s25+$0xD470] =	vst v4  }
0xeb: {  	s20 =	smul.u32 $0x180000, s19;
	[tilespmem:s29+$0xD470] =	vst v6  }
0xec: {  	[tilespmem:s31+$0xD470] =	vst v7  }
0xed: {  	s10 =	sshrl.u32 s20, $0x3;
	[tilespmem:s1+$0xD470] =	vst v3  }
0xee: {  	s0 =	sadd.s32 s10, s6;
	[tilespmem:s8+$0xD470] =	vst v1  }
0xef: {  	[hbm4b:s0+s13] =	stream.strided.scatter [tilespmem:s14], [sflag:$0x1], $0x6000, s11, s13, $0x38;
	[tilespmem:$0x19000] =	vst v63  }
0xf0: {  	s0 =	simm.s32 @!p0 $0x2  }
0xf1: {  	_ =	swait.ge @!p0 [sflag:s0], $0x6000  }
0xf2: {  	[sflag:s0] =	ssyncset.done @!p0 $0x0  }
0xf3: {  	[sflag:s0] =	ssyncadd.s32 @!p0 $0xFFFFA000  }
0xf4: {  	v1 =	vld [tilespmem:s3+$0x800];
	_ =	sdelay $0x2  }
0xf5: {  	v2 =	vld [tilespmem:s3+$0x810]  }
0xf6: {  	v3 =	vld [tilespmem:s3+$0x820]  }
0xf7: {  	s1 =	simm.s32 $0x0;
	v4 =	vld [tilespmem:s3+$0x830];
	v13 =	vshll.u32 v1, $0x4  }
0xf8: {  	v5 =	vld [tilespmem:s3+$0x840];
	v1 =	vor.u32 v0, v13;
	v7 =	vadd.s32 s1, v13  }
0xf9: {  	v6 =	vld [tilespmem:s3+$0x850];
	v15 =	vand.u32 $0x7F, v1;
	v1 =	vand.u32 $0xFFFFFF80, v7  }
0xfa: {  	v8 =	vld [tilespmem:s3+$0x860];
	v1 =	vor.u32 v15, v1  }
0xfb: {  	v9 =	vld [tilespmem:s3+$0xC00]  }
0xfc: {  	v10 =	vld [tilespmem:s3+$0xC10]  }
0xfd: {  	v14 =	vld [tilespmem:s3+$0xC20];
	v17 =	vshll.u32 v2, $0x4  }
0xfe: {  	v28 =	vld [tilespmem:s3+$0xC30];
	v2 =	vor.u32 v0, v17;
	v11 =	vadd.s32 s1, v17  }
0xff: {  	v18 =	vand.u32 $0x7F, v2;
	v12 =	vld.idx.msk [tilespmem:v1+s4+$0x0], $0xffff;
	v1 =	vand.u32 $0xFFFFFF80, v11  }
0x100: {  	v30 =	vld [tilespmem:s3+$0xC40];
	v11 =	vor.u32 v18, v1  }
0x101: {  	v61 =	vld [tilespmem:s3+$0xC50]  }
0x102: {  	s12 =	sand.u32 $0x7800, s1;
	s21 =	sand.u32 $0x380, s1;
	v7 =	vld [tilespmem:s3+$0x870]  }
0x103: {  	s0 =	sor.u32 s21, s12;
	v19 =	vshll.u32 v3, $0x4;
	v2 =	vld [tilespmem:s3+$0xC60]  }
0x104: {  	v3 =	vor.u32 v0, v19;
	v1 =	vld [tilespmem:s3+$0xC70];
	[tilespmem:s0+$0x13000] =	vst v12;
	v12 =	vadd.s32 s1, v19  }
0x105: {  	s25 =	simm.s32 $0x100;
	v21 =	vand.u32 $0x7F, v3;
	v3 =	vld.idx.msk [tilespmem:v11+s4+$0x0], $0xffff;
	v11 =	vand.u32 $0xFFFFFF80, v12  }
0x106: {  	v12 =	vadd.s32 s25, v13;
	v11 =	vor.u32 v21, v11  }
0x107: {  	v12 =	vand.u32 $0xFFFFFF80, v12  }
0x108: {  	v12 =	vor.u32 v15, v12  }
0x109: {  	s29 =	sadd.s32 $0x13000, s0;
	v20 =	vshll.u32 v4, $0x4  }
0x10a: {  	v4 =	vor.u32 v0, v20;
	[tilespmem:s29+$0x10] =	vst v3;
	v3 =	vadd.s32 s1, v20  }
0x10b: {  	v22 =	vand.u32 $0x7F, v4;
	v4 =	vld.idx.msk [tilespmem:v11+s4+$0x0], $0xffff;
	v3 =	vand.u32 $0xFFFFFF80, v3  }
0x10c: {  	v11 =	vadd.s32 s25, v17;
	v3 =	vor.u32 v22, v3  }
0x10d: {  	v12 =	vld.idx.msk [tilespmem:v12+s4+$0x0], $0xffff;
	v11 =	vand.u32 $0xFFFFFF80, v11  }
0x10e: {  	v11 =	vor.u32 v18, v11  }
0x10f: {  	s22 =	simm.s32 $0x80;
	v23 =	vshll.u32 v5, $0x4  }
0x110: {  	s23 =	sand.u32 $0x7800, s25;
	v5 =	vor.u32 v0, v23;
	s0 =	sand.u32 $0x380, s22;
	[tilespmem:s29+$0x20] =	vst v4;
	v4 =	vadd.s32 s1, v23  }
0x111: {  	v25 =	vand.u32 $0x7F, v5;
	s0 =	sor.u32 s0, s23;
	v3 =	vld.idx.msk [tilespmem:v3+s4+$0x0], $0xffff;
	v4 =	vand.u32 $0xFFFFFF80, v4  }
0x112: {  	v5 =	vadd.s32 s25, v19;
	[tilespmem:s0+$0x13000] =	vst v12;
	v4 =	vor.u32 v25, v4  }
0x113: {  	s21 =	simm.s32 $0x200;
	v5 =	vand.u32 $0xFFFFFF80, v5;
	v11 =	vld.idx.msk [tilespmem:v11+s4+$0x0], $0xffff  }
0x114: {  	v5 =	vor.u32 v21, v5;
	v12 =	vadd.s32 s21, v13  }
0x115: {  	v26 =	vshll.u32 v6, $0x4;
	v6 =	vand.u32 $0xFFFFFF80, v12  }
0x116: {  	v12 =	vor.u32 v0, v26;
	v6 =	vor.u32 v15, v6;
	[tilespmem:s29+$0x30] =	vst v3;
	v3 =	vadd.s32 s1, v26  }
0x117: {  	s23 =	sadd.s32 $0x13000, s0;
	v27 =	vand.u32 $0x7F, v12;
	v4 =	vld.idx.msk [tilespmem:v4+s4+$0x0], $0xffff;
	v3 =	vand.u32 $0xFFFFFF80, v3  }
0x118: {  	[tilespmem:s23+$0x10] =	vst v11;
	v11 =	vadd.s32 s25, v20;
	v3 =	vor.u32 v27, v3  }
0x119: {  	v24 =	vshll.u32 v8, $0x4;
	v5 =	vld.idx.msk [tilespmem:v5+s4+$0x0], $0xffff;
	v8 =	vand.u32 $0xFFFFFF80, v11  }
0x11a: {  	v16 =	vshll.u32 v7, $0x4;
	v7 =	vadd.s32 s21, v17;
	v31 =	vor.u32 v22, v8  }
0x11b: {  	v2 =	vshll.u32 v2, $0x4;
	v62 =	vor.u32 v0, v16;
	v7 =	vand.u32 $0xFFFFFF80, v7;
	v6 =	vld.idx.msk [tilespmem:v6+s4+$0x0], $0xffff  }
0x11c: {  	v7 =	vor.u32 v18, v7;
	v8 =	vor.u32 v0, v24;
	[tilespmem:s29+$0x40] =	vst v4;
	v4 =	vadd.s32 s1, v24  }
0x11d: {  	s24 =	simm.s32 $0x100;
	v43 =	vadd.s32 s1, v16;
	v29 =	vand.u32 $0x7F, v8;
	v3 =	vld.idx.msk [tilespmem:v3+s4+$0x0], $0xffff;
	v4 =	vand.u32 $0xFFFFFF80, v4  }
0x11e: {  	s26 =	sand.u32 $0x7800, s21;
	v51 =	vor.u32 v0, v2;
	s0 =	sand.u32 $0x380, s24;
	[tilespmem:s23+$0x20] =	vst v5;
	v5 =	vadd.s32 s25, v23;
	v4 =	vor.u32 v29, v4  }
0x11f: {  	v54 =	vadd.s32 s25, v16;
	s0 =	sor.u32 s0, s26;
	v8 =	vshll.u32 v14, $0x4;
	v14 =	vld.idx.msk [tilespmem:v31+s4+$0x0], $0xffff;
	v5 =	vand.u32 $0xFFFFFF80, v5  }
0x120: {  	v1 =	vshll.u32 v1, $0x4;
	s24 =	simm.s32 $0x300;
	[tilespmem:s0+$0x13000] =	vst v6;
	v31 =	vadd.s32 s21, v19;
	v5 =	vor.u32 v25, v5  }
0x121: {  	v6 =	vshll.u32 v28, $0x4;
	v7 =	vld.idx.msk [tilespmem:v7+s4+$0x0], $0xffff;
	v28 =	vand.u32 $0xFFFFFF80, v31;
	v31 =	vadd.s32 s24, v13  }
0x122: {  	v52 =	vor.u32 v0, v1;
	v28 =	vor.u32 v21, v28;
	[tilespmem:s29+$0x50] =	vst v3;
	v3 =	vand.u32 $0xFFFFFF80, v31  }
0x123: {  	v31 =	vand.u32 $0x7F, v62;
	v44 =	vld.idx.msk [tilespmem:v4+s4+$0x0], $0xffff;
	v45 =	vor.u32 v15, v3;
	v3 =	vand.u32 $0xFFFFFF80, v43  }
0x124: {  	v4 =	vshll.u32 v30, $0x4;
	[tilespmem:s23+$0x30] =	vst v14;
	v14 =	vadd.s32 s25, v26;
	v30 =	vor.u32 v31, v3  }
0x125: {  	v48 =	vadd.s32 s24, v17;
	v58 =	vadd.s32 s24, v20;
	s22 =	sadd.s32 $0x13000, s0;
	v5 =	vld.idx.msk [tilespmem:v5+s4+$0x0], $0xffff;
	v14 =	vand.u32 $0xFFFFFF80, v14  }
0x126: {  	v12 =	vshll.u32 v9, $0x4;
	[tilespmem:s22+$0x10] =	vst v7;
	v7 =	vadd.s32 s21, v20;
	v14 =	vor.u32 v27, v14  }
0x127: {  	v49 =	vand.u32 $0xFFFFFF80, v48;
	v9 =	vor.u32 v0, v12;
	v7 =	vand.u32 $0xFFFFFF80, v7;
	v28 =	vld.idx.msk [tilespmem:v28+s4+$0x0], $0xffff  }
0x128: {  	v50 =	vadd.s32 s1, v12;
	v33 =	vor.u32 v18, v49;
	v7 =	vor.u32 v22, v7;
	v36 =	vld.idx.msk [tilespmem:v45+s4+$0x0], $0xffff;
	[tilespmem:s29+$0x60] =	vst v44  }
0x129: {  	v48 =	vadd.s32 s25, v12;
	v32 =	vand.u32 $0x7F, v9;
	v9 =	vld.idx.msk [tilespmem:v30+s4+$0x0], $0xffff;
	v30 =	vand.u32 $0xFFFFFF80, v50  }
0x12a: {  	s5 =	simm.s32 $0x180;
	v11 =	vshll.u32 v10, $0x4;
	[tilespmem:s23+$0x40] =	vst v5;
	v5 =	vadd.s32 s25, v24;
	v39 =	vor.u32 v32, v30  }
0x12b: {  	s8 =	sand.u32 $0x7800, s24;
	v10 =	vor.u32 v0, v11;
	v63 =	vor.u32 v0, v8;
	s0 =	sand.u32 $0x380, s5;
	v14 =	vld.idx.msk [tilespmem:v14+s4+$0x0], $0xffff;
	v5 =	vand.u32 $0xFFFFFF80, v5  }
0x12c: {  	v46 =	vor.u32 v0, v6;
	s0 =	sor.u32 s0, s8;
	[tilespmem:s22+$0x20] =	vst v28;
	v28 =	vadd.s32 s21, v23;
	v5 =	vor.u32 v29, v5  }
0x12d: {  	v30 =	vand.u32 $0x7F, v10;
	v7 =	vld.idx.msk [tilespmem:v7+s4+$0x0], $0xffff;
	v10 =	vand.u32 $0xFFFFFF80, v28;
	v28 =	vadd.s32 s24, v19;
	[tilespmem:s0+$0x13000] =	vst v36  }
0x12e: {  	s28 =	simm.s32 $0x400;
	v53 =	vor.u32 v25, v10;
	v10 =	vadd.s32 s1, v11;
	v33 =	vld.idx.msk [tilespmem:v33+s4+$0x0], $0xffff;
	[tilespmem:s29+$0x70] =	vst v9;
	v9 =	vand.u32 $0xFFFFFF80, v28  }
0x12f: {  	v10 =	vand.u32 $0xFFFFFF80, v10;
	v28 =	vadd.s32 s28, v13;
	v39 =	vld.idx.msk [tilespmem:v39+s4+$0x0], $0xffff;
	v9 =	vor.u32 v21, v9  }
0x130: {  	v62 =	vadd.s32 s28, v17;
	v55 =	vor.u32 v30, v10;
	[tilespmem:s23+$0x50] =	vst v14;
	v14 =	vand.u32 $0xFFFFFF80, v28  }
0x131: {  	v47 =	vor.u32 v0, v4;
	v3 =	vshll.u32 v61, $0x4;
	v5 =	vld.idx.msk [tilespmem:v5+s4+$0x0], $0xffff;
	v56 =	vor.u32 v15, v14  }
0x132: {  	s26 =	sadd.s32 $0x13000, s0;
	v38 =	vor.u32 v0, v3;
	v10 =	vand.u32 $0xFFFFFF80, v54;
	[tilespmem:s22+$0x30] =	vst v7;
	v7 =	vadd.s32 s21, v26  }
0x133: {  	v28 =	vand.u32 $0x7F, v63;
	v57 =	vor.u32 v31, v10;
	v36 =	vld.idx.msk [tilespmem:v53+s4+$0x0], $0xffff;
	v7 =	vand.u32 $0xFFFFFF80, v7;
	[tilespmem:s26+$0x10] =	vst v33  }
0x134: {  	v60 =	vor.u32 v27, v7;
	v7 =	vand.u32 $0xFFFFFF80, v58;
	v59 =	vld.idx.msk [tilespmem:v9+s4+$0x0], $0xffff;
	[tilespmem:s29+$0x400] =	vst v39;
	v9 =	vadd.s32 s1, v8  }
0x135: {  	v10 =	vand.u32 $0x7F, v47;
	v63 =	vor.u32 v22, v7;
	v61 =	vld.idx.msk [tilespmem:v55+s4+$0x0], $0xffff;
	v7 =	vand.u32 $0xFFFFFF80, v9  }
0x136: {  	v14 =	vand.u32 $0x7F, v46;
	v34 =	vld.idx.msk [tilespmem:v56+s4+$0x0], $0xffff;
	[tilespmem:s23+$0x60] =	vst v5;
	v5 =	vand.u32 $0xFFFFFF80, v62;
	v49 =	vor.u32 v28, v7  }
0x137: {  	v53 =	vadd.s32 s24, v23;
	v58 =	vadd.s32 s28, v19;
	v50 =	vor.u32 v18, v5  }
0x138: {  	s10 =	simm.s32 $0x200;
	v35 =	vld.idx.msk [tilespmem:v57+s4+$0x0], $0xffff;
	v5 =	vand.u32 $0xFFFFFF80, v48;
	v7 =	vand.u32 $0x7F, v51;
	[tilespmem:s22+$0x40] =	vst v36;
	v51 =	vadd.s32 s21, v24  }
0x139: {  	s12 =	sand.u32 $0x7800, s28;
	s0 =	sand.u32 $0x380, s10;
	v39 =	vor.u32 v32, v5;
	v5 =	vand.u32 $0x7F, v52;
	v52 =	vld.idx.msk [tilespmem:v60+s4+$0x0], $0xffff;
	v36 =	vand.u32 $0xFFFFFF80, v51;
	[tilespmem:s26+$0x20] =	vst v59  }
0x13a: {  	s0 =	sor.u32 s0, s12;
	v55 =	vand.u32 $0xFFFFFF80, v53;
	v56 =	vadd.s32 s1, v6;
	v36 =	vor.u32 v29, v36;
	v54 =	vld.idx.msk [tilespmem:v63+s4+$0x0], $0xffff;
	[tilespmem:s29+$0x410] =	vst v61  }
0x13b: {  	s31 =	simm.s32 $0x500;
	v9 =	vand.u32 $0x7F, v38;
	v33 =	vor.u32 v25, v55;
	v37 =	vand.u32 $0xFFFFFF80, v56;
	[tilespmem:s0+$0x13000] =	vst v34;
	v57 =	vld.idx.msk [tilespmem:v49+s4+$0x0], $0xffff  }
0x13c: {  	v37 =	vor.u32 v14, v37;
	v59 =	vand.u32 $0xFFFFFF80, v58;
	v61 =	vadd.s32 s31, v13;
	v38 =	vld.idx.msk [tilespmem:v50+s4+$0x0], $0xffff  }
0x13d: {  	v60 =	vadd.s32 s25, v11;
	[tilespmem:s23+$0x70] =	vst v35;
	v35 =	vor.u32 v21, v59;
	v62 =	vand.u32 $0xFFFFFF80, v61  }
0x13e: {  	v42 =	vand.u32 $0xFFFFFF80, v60;
	v63 =	vadd.s32 s21, v16;
	v39 =	vld.idx.msk [tilespmem:v39+s4+$0x0], $0xffff;
	[tilespmem:s22+$0x50] =	vst v52;
	v40 =	vor.u32 v15, v62  }
0x13f: {  	v46 =	vadd.s32 s24, v26;
	v42 =	vor.u32 v30, v42;
	v45 =	vand.u32 $0xFFFFFF80, v63;
	v36 =	vld.idx.msk [tilespmem:v36+s4+$0x0], $0xffff;
	[tilespmem:s26+$0x30] =	vst v54  }
0x140: {  	s30 =	sadd.s32 $0x13000, s0;
	v47 =	vand.u32 $0xFFFFFF80, v46;
	v48 =	vadd.s32 s1, v4;
	v41 =	vor.u32 v31, v45;
	v33 =	vld.idx.msk [tilespmem:v33+s4+$0x0], $0xffff;
	[tilespmem:s29+$0x420] =	vst v57  }
0x141: {  	v43 =	vand.u32 $0xFFFFFF80, v48;
	v34 =	vor.u32 v27, v47;
	v49 =	vadd.s32 s28, v20;
	[tilespmem:s30+$0x10] =	vst v38;
	v37 =	vld.idx.msk [tilespmem:v37+s4+$0x0], $0xffff  }
0x142: {  	s3 =	simm.s32 $0x280;
	v51 =	vadd.s32 s31, v17;
	v43 =	vor.u32 v10, v43;
	v38 =	vand.u32 $0xFFFFFF80, v49;
	v35 =	vld.idx.msk [tilespmem:v35+s4+$0x0], $0xffff  }
0x143: {  	s0 =	sand.u32 $0x380, s3;
	s3 =	simm.s32 $0x600;
	v50 =	vadd.s32 s25, v8;
	v52 =	vand.u32 $0xFFFFFF80, v51;
	[tilespmem:s23+$0x400] =	vst v39;
	v38 =	vor.u32 v22, v38;
	v40 =	vld.idx.msk [tilespmem:v40+s4+$0x0], $0xffff  }
0x144: {  	v48 =	vadd.s32 s3, v13;
	v39 =	vand.u32 $0xFFFFFF80, v50;
	v42 =	vld.idx.msk [tilespmem:v42+s4+$0x0], $0xffff;
	[tilespmem:s22+$0x60] =	vst v36;
	v36 =	vor.u32 v18, v52  }
0x145: {  	v53 =	vadd.s32 s21, v12;
	v50 =	vand.u32 $0xFFFFFF80, v48;
	v39 =	vor.u32 v28, v39;
	v41 =	vld.idx.msk [tilespmem:v41+s4+$0x0], $0xffff;
	[tilespmem:s26+$0x40] =	vst v33  }
0x146: {  	s5 =	sand.u32 $0x7800, s31;
	v55 =	vadd.s32 s24, v24;
	v54 =	vand.u32 $0xFFFFFF80, v53;
	v52 =	vor.u32 v15, v50;
	v34 =	vld.idx.msk [tilespmem:v34+s4+$0x0], $0xffff;
	[tilespmem:s29+$0x430] =	vst v37  }
0x147: {  	v56 =	vand.u32 $0xFFFFFF80, v55;
	s0 =	sor.u32 s0, s5;
	v57 =	vadd.s32 s1, v3;
	v33 =	vor.u32 v32, v54;
	[tilespmem:s30+$0x20] =	vst v35;
	v58 =	vld.idx.msk [tilespmem:v43+s4+$0x0], $0xffff  }
0x148: {  	v59 =	vadd.s32 s28, v23;
	v44 =	vand.u32 $0xFFFFFF80, v57;
	v37 =	vor.u32 v29, v56;
	[tilespmem:s0+$0x13000] =	vst v40;
	v38 =	vld.idx.msk [tilespmem:v38+s4+$0x0], $0xffff  }
0x149: {  	v60 =	vand.u32 $0xFFFFFF80, v59;
	v62 =	vadd.s32 s31, v19;
	v44 =	vor.u32 v9, v44;
	[tilespmem:s23+$0x410] =	vst v42;
	v36 =	vld.idx.msk [tilespmem:v36+s4+$0x0], $0xffff  }
0x14a: {  	v61 =	vadd.s32 s25, v6;
	v40 =	vand.u32 $0xFFFFFF80, v62;
	v42 =	vor.u32 v25, v60;
	v39 =	vld.idx.msk [tilespmem:v39+s4+$0x0], $0xffff;
	[tilespmem:s22+$0x70] =	vst v41  }
0x14b: {  	v63 =	vadd.s32 s21, v11;
	v43 =	vand.u32 $0xFFFFFF80, v61;
	v40 =	vor.u32 v21, v40;
	v35 =	vld.idx.msk [tilespmem:v52+s4+$0x0], $0xffff;
	[tilespmem:s26+$0x50] =	vst v34  }
0x14c: {  	v51 =	vadd.s32 s24, v16;
	v49 =	vand.u32 $0xFFFFFF80, v63;
	v43 =	vor.u32 v14, v43;
	v33 =	vld.idx.msk [tilespmem:v33+s4+$0x0], $0xffff;
	[tilespmem:s29+$0x440] =	vst v58  }
0x14d: {  	v55 =	vadd.s32 s1, v2;
	v53 =	vand.u32 $0xFFFFFF80, v51;
	s0 =	sadd.s32 $0x13000, s0;
	v34 =	vor.u32 v30, v49;
	v37 =	vld.idx.msk [tilespmem:v37+s4+$0x0], $0xffff;
	[tilespmem:s30+$0x30] =	vst v38  }
0x14e: {  	v57 =	vand.u32 $0xFFFFFF80, v55;
	v56 =	vadd.s32 s28, v26;
	v38 =	vor.u32 v31, v53;
	[tilespmem:s0+$0x10] =	vst v36;
	v54 =	vld.idx.msk [tilespmem:v44+s4+$0x0], $0xffff  }
0x14f: {  	v60 =	vadd.s32 s31, v20;
	v58 =	vand.u32 $0xFFFFFF80, v56;
	v42 =	vld.idx.msk [tilespmem:v42+s4+$0x0], $0xffff;
	[tilespmem:s23+$0x420] =	vst v39;
	v39 =	vor.u32 v7, v57  }
0x150: {  	v59 =	vadd.s32 s25, v4;
	v62 =	vand.u32 $0xFFFFFF80, v60;
	v40 =	vld.idx.msk [tilespmem:v40+s4+$0x0], $0xffff;
	v36 =	vor.u32 v27, v58  }
0x151: {  	v63 =	vadd.s32 s21, v8;
	v61 =	vand.u32 $0xFFFFFF80, v59;
	v44 =	vor.u32 v22, v62;
	v43 =	vld.idx.msk [tilespmem:v43+s4+$0x0], $0xffff;
	[tilespmem:s22+$0x400] =	vst v33  }
0x152: {  	v46 =	vadd.s32 s3, v17;
	v48 =	vand.u32 $0xFFFFFF80, v63;
	v33 =	vor.u32 v10, v61;
	v34 =	vld.idx.msk [tilespmem:v34+s4+$0x0], $0xffff;
	[tilespmem:s26+$0x60] =	vst v37  }
0x153: {  	v50 =	vadd.s32 s24, v12;
	v49 =	vand.u32 $0xFFFFFF80, v46;
	v37 =	vor.u32 v28, v48;
	v38 =	vld.idx.msk [tilespmem:v38+s4+$0x0], $0xffff;
	[tilespmem:s29+$0x450] =	vst v54  }
0x154: {  	v51 =	vand.u32 $0xFFFFFF80, v50;
	v45 =	vor.u32 v18, v49;
	v53 =	vadd.s32 s1, v1;
	[tilespmem:s30+$0x40] =	vst v42;
	v52 =	vld.idx.msk [tilespmem:v39+s4+$0x0], $0xffff  }
0x155: {  	s10 =	simm.s32 $0x300;
	v48 =	vor.u32 v32, v51;
	v54 =	vadd.s32 s28, v24;
	[tilespmem:s0+$0x20] =	vst v40;
	v47 =	vld.idx.msk [tilespmem:v36+s4+$0x0], $0xffff;
	v39 =	vand.u32 $0xFFFFFF80, v53  }
0x156: {  	s12 =	sand.u32 $0x380, s10;
	s8 =	sand.u32 $0x7800, s3;
	v56 =	vadd.s32 s25, v3;
	[tilespmem:s23+$0x430] =	vst v43;
	v55 =	vand.u32 $0xFFFFFF80, v54;
	v41 =	vld.idx.msk [tilespmem:v44+s4+$0x0], $0xffff;
	v49 =	vor.u32 v5, v39  }
0x157: {  	s5 =	sor.u32 s12, s8;
	v57 =	vadd.s32 s31, v23;
	v36 =	vld.idx.msk [tilespmem:v33+s4+$0x0], $0xffff;
	v39 =	vor.u32 v29, v55;
	v33 =	vand.u32 $0xFFFFFF80, v56;
	[tilespmem:s22+$0x410] =	vst v34  }
0x158: {  	v59 =	vadd.s32 s21, v6;
	[tilespmem:s5+$0x13000] =	vst v35;
	v58 =	vand.u32 $0xFFFFFF80, v57;
	v35 =	vld.idx.msk [tilespmem:v37+s4+$0x0], $0xffff;
	v37 =	vor.u32 v9, v33  }
0x159: {  	v60 =	vadd.s32 s3, v19;
	v61 =	vand.u32 $0xFFFFFF80, v59;
	v42 =	vor.u32 v25, v58;
	v43 =	vld.idx.msk [tilespmem:v45+s4+$0x0], $0xffff;
	[tilespmem:s26+$0x70] =	vst v38  }
0x15a: {  	v63 =	vadd.s32 s24, v11;
	s1 =	simm.s32 $0x700;
	v62 =	vand.u32 $0xFFFFFF80, v60;
	v33 =	vor.u32 v14, v61;
	v38 =	vld.idx.msk [tilespmem:v48+s4+$0x0], $0xffff;
	[tilespmem:s29+$0x460] =	vst v52  }
0x15b: {  	s12 =	simm.s32 $0x800;
	v40 =	vand.u32 $0xFFFFFF80, v63;
	v45 =	vadd.s32 s1, v13;
	v44 =	vor.u32 v21, v62;
	[tilespmem:s30+$0x50] =	vst v47;
	v34 =	vld.idx.msk [tilespmem:v49+s4+$0x0], $0xffff  }
.LBB2_5:
0x15c: {  	p0 =	sne.s32 s12, $0x5F00;
	v45 =	vand.u32 $0xFFFFFF80, v45;
	v39 =	vld.idx.msk [tilespmem:v39+s4+$0x0], $0xffff;
	v46 =	vadd.s32 s28, v16;
	v40 =	vor.u32 v30, v40;
	[tilespmem:s23+$0x440] =	vst v36  }
0x15d: {  	v36 =	vor.u32 v15, v45;
	[tilespmem:s0+$0x30] =	vst v41;
	v41 =	vand.u32 $0xFFFFFF80, v46;
	v37 =	vld.idx.msk [tilespmem:v37+s4+$0x0], $0xffff;
	v45 =	vadd.s32 s25, v2  }
0x15e: {  	s5 =	sadd.s32 $0x13000, s5;
	v46 =	vadd.s32 s31, v26;
	v42 =	vld.idx.msk [tilespmem:v42+s4+$0x0], $0xffff;
	v41 =	vor.u32 v31, v41;
	[tilespmem:s22+$0x420] =	vst v35;
	v35 =	vand.u32 $0xFFFFFF80, v45  }
0x15f: {  	v45 =	vadd.s32 s21, v4;
	[tilespmem:s5+$0x10] =	vst v43;
	v43 =	vand.u32 $0xFFFFFF80, v46;
	v33 =	vld.idx.msk [tilespmem:v33+s4+$0x0], $0xffff;
	v35 =	vor.u32 v7, v35  }
0x160: {  	v46 =	vadd.s32 s3, v20;
	v44 =	vld.idx.msk [tilespmem:v44+s4+$0x0], $0xffff;
	v43 =	vor.u32 v27, v43;
	[tilespmem:s26+$0x400] =	vst v38;
	v38 =	vand.u32 $0xFFFFFF80, v45  }
0x161: {  	v45 =	vand.u32 $0xFFFFFF80, v46;
	v46 =	vadd.s32 s24, v8;
	v40 =	vld.idx.msk [tilespmem:v40+s4+$0x0], $0xffff;
	v38 =	vor.u32 v10, v38;
	[tilespmem:s29+$0x470] =	vst v34;
	s29 =	smov.u32 s23;
	s23 =	smov.u32 s22;
	s22 =	smov.u32 s26  }
0x162: {  	v45 =	vor.u32 v22, v45;
	s26 =	smov.u32 s30;
	v34 =	vld.idx.msk [tilespmem:v36+s4+$0x0], $0xffff;
	v36 =	vadd.s32 s1, v17;
	[tilespmem:s30+$0x60] =	vst v39;
	v39 =	vand.u32 $0xFFFFFF80, v46;
	s30 =	smov.u32 s0;
	s0 =	smov.u32 s5  }
0x163: {  	v36 =	vand.u32 $0xFFFFFF80, v36;
	v46 =	vld.idx.msk [tilespmem:v41+s4+$0x0], $0xffff;
	v41 =	vadd.s32 s28, v12;
	v47 =	vor.u32 v28, v39;
	[tilespmem:s29+$0x450] =	vst v37  }
0x164: {  	v48 =	vor.u32 v18, v36;
	[tilespmem:s30+$0x40] =	vst v42;
	v36 =	vand.u32 $0xFFFFFF80, v41;
	v49 =	vld.idx.msk [tilespmem:v35+s4+$0x0], $0xffff;
	v35 =	vadd.s32 s25, v1;
	s25 =	smov.u32 s21;
	s21 =	smov.u32 s24;
	s24 =	smov.u32 s28  }
0x165: {  	s10 =	sadd.s32 $0x80, s10;
	v37 =	vadd.s32 s31, v24;
	s28 =	smov.u32 s31;
	s31 =	smov.u32 s3;
	v50 =	vld.idx.msk [tilespmem:v43+s4+$0x0], $0xffff;
	v51 =	vor.u32 v32, v36;
	[tilespmem:s23+$0x430] =	vst v33;
	v33 =	vand.u32 $0xFFFFFF80, v35  }
0x166: {  	s8 =	sand.u32 $0x380, s10;
	s5 =	sand.u32 $0x7800, s1;
	s3 =	smov.u32 s1;
	v35 =	vand.u32 $0xFFFFFF80, v37;
	v37 =	vadd.s32 s25, v3;
	[tilespmem:s0+$0x20] =	vst v44;
	v36 =	vld.idx.msk [tilespmem:v38+s4+$0x0], $0xffff;
	v52 =	vor.u32 v5, v33  }
.Ltmp1:
0x167: {  	s5 =	sor.u32 s8, s5;
	s1 =	smov.u32 s12;
	v33 =	vadd.s32 s31, v23;
	v39 =	vor.u32 v29, v35;
	v37 =	vand.u32 $0xFFFFFF80, v37;
	v41 =	vld.idx.msk [tilespmem:v45+s4+$0x0], $0xffff;
	[tilespmem:s22+$0x410] =	vst v40;
	(pc) =	sbr.rel @p0 .LBB2_5-.Ltmp1, $4  }
0x168: {  	v33 =	vand.u32 $0xFFFFFF80, v33;
	v37 =	vor.u32 v9, v37;
	[tilespmem:s5+$0x13000] =	vst v34;
	v35 =	vld.idx.msk [tilespmem:v47+s4+$0x0], $0xffff;
	v34 =	vadd.s32 s21, v6  }
0x169: {  	v38 =	vadd.s32 s3, v19;
	v42 =	vor.u32 v25, v33;
	v43 =	vld.idx.msk [tilespmem:v48+s4+$0x0], $0xffff;
	[tilespmem:s26+$0x70] =	vst v46;
	v33 =	vand.u32 $0xFFFFFF80, v34  }
0x16a: {  	v40 =	vadd.s32 s24, v11;
	v34 =	vand.u32 $0xFFFFFF80, v38;
	v38 =	vld.idx.msk [tilespmem:v51+s4+$0x0], $0xffff;
	v33 =	vor.u32 v14, v33;
	[tilespmem:s29+$0x460] =	vst v49  }
0x16b: {  	s12 =	sadd.s32 $0x100, s12;
	v45 =	vadd.s32 s1, v13;
	v40 =	vand.u32 $0xFFFFFF80, v40;
	v44 =	vor.u32 v21, v34;
	[tilespmem:s30+$0x50] =	vst v50;
	v34 =	vld.idx.msk [tilespmem:v52+s4+$0x0], $0xffff  }
0x16c: {  	v13 =	vand.u32 $0xFFFFFF80, v45  }
0x16d: {  	v13 =	vor.u32 v15, v13;
	_ =	sdelay $0x3  }
0x16e: {  	v49 =	vadd.s32 s1, v17  }
0x16f: {  	v15 =	vand.u32 $0xFFFFFF80, v49;
	v13 =	vld.idx.msk [tilespmem:v13+s4+$0x0], $0xffff  }
0x170: {  	v15 =	vor.u32 v18, v15  }
0x171: {  	s8 =	sadd.s32 $0x80, s10  }
0x172: {  	s12 =	sand.u32 $0x7800, s1;
	s8 =	sand.u32 $0x380, s8  }
0x173: {  	s8 =	sor.u32 s8, s12  }
0x174: {  	v50 =	vadd.s32 s1, v19;
	[tilespmem:s8+$0x13000] =	vst v13  }
0x175: {  	v13 =	vand.u32 $0xFFFFFF80, v50;
	v15 =	vld.idx.msk [tilespmem:v15+s4+$0x0], $0xffff  }
0x176: {  	v13 =	vor.u32 v21, v13;
	_ =	sdelay $0x1  }
0x177: {  	s5 =	sadd.s32 $0x13000, s5  }
0x178: {  	v51 =	vadd.s32 s3, v20;
	[tilespmem:s5+$0x10] =	vst v43;
	s12 =	sadd.s32 $0x13000, s8  }
0x179: {  	v53 =	vadd.s32 s1, v20;
	v17 =	vand.u32 $0xFFFFFF80, v51;
	v52 =	vld.idx.msk [tilespmem:v44+s4+$0x0], $0xffff;
	[tilespmem:s12+$0x10] =	vst v15  }
0x17a: {  	v17 =	vor.u32 v22, v17;
	v15 =	vand.u32 $0xFFFFFF80, v53;
	v13 =	vld.idx.msk [tilespmem:v13+s4+$0x0], $0xffff  }
0x17b: {  	v15 =	vor.u32 v22, v15;
	_ =	sdelay $0x2  }
0x17c: {  	v54 =	vadd.s32 s3, v23;
	[tilespmem:s5+$0x20] =	vst v52  }
0x17d: {  	v55 =	vadd.s32 s1, v23;
	v18 =	vand.u32 $0xFFFFFF80, v54;
	v17 =	vld.idx.msk [tilespmem:v17+s4+$0x0], $0xffff;
	[tilespmem:s12+$0x20] =	vst v13  }
0x17e: {  	v18 =	vor.u32 v25, v18;
	v13 =	vand.u32 $0xFFFFFF80, v55;
	v15 =	vld.idx.msk [tilespmem:v15+s4+$0x0], $0xffff  }
0x17f: {  	v13 =	vor.u32 v25, v13  }
0x180: {  	[tilespmem:s0+$0x30] =	vst v41;
	v56 =	vadd.s32 s31, v26  }
0x181: {  	v57 =	vld.idx.msk [tilespmem:v42+s4+$0x0], $0xffff;
	v19 =	vand.u32 $0xFFFFFF80, v56  }
0x182: {  	v58 =	vadd.s32 s3, v26;
	v19 =	vor.u32 v27, v19;
	[tilespmem:s5+$0x30] =	vst v17  }
0x183: {  	v59 =	vadd.s32 s1, v26;
	v17 =	vand.u32 $0xFFFFFF80, v58;
	v18 =	vld.idx.msk [tilespmem:v18+s4+$0x0], $0xffff;
	[tilespmem:s12+$0x30] =	vst v15  }
0x184: {  	v17 =	vor.u32 v27, v17;
	v15 =	vand.u32 $0xFFFFFF80, v59;
	v13 =	vld.idx.msk [tilespmem:v13+s4+$0x0], $0xffff  }
0x185: {  	v15 =	vor.u32 v27, v15  }
0x186: {  	v60 =	vadd.s32 s31, v24;
	[tilespmem:s0+$0x40] =	vst v57  }
0x187: {  	v20 =	vand.u32 $0xFFFFFF80, v60;
	v19 =	vld.idx.msk [tilespmem:v19+s4+$0x0], $0xffff  }
0x188: {  	v61 =	vadd.s32 s3, v24;
	v20 =	vor.u32 v29, v20;
	[tilespmem:s5+$0x40] =	vst v18  }
0x189: {  	v62 =	vadd.s32 s1, v24;
	v18 =	vand.u32 $0xFFFFFF80, v61;
	v17 =	vld.idx.msk [tilespmem:v17+s4+$0x0], $0xffff;
	[tilespmem:s12+$0x40] =	vst v13  }
0x18a: {  	v18 =	vor.u32 v29, v18;
	v13 =	vand.u32 $0xFFFFFF80, v62;
	v15 =	vld.idx.msk [tilespmem:v15+s4+$0x0], $0xffff  }
0x18b: {  	v63 =	vadd.s32 s28, v16;
	v13 =	vor.u32 v29, v13  }
0x18c: {  	v24 =	vld.idx.msk [tilespmem:v39+s4+$0x0], $0xffff;
	v21 =	vand.u32 $0xFFFFFF80, v63;
	[tilespmem:s0+$0x50] =	vst v19;
	v25 =	vadd.s32 s31, v16  }
0x18d: {  	v21 =	vor.u32 v31, v21;
	v20 =	vld.idx.msk [tilespmem:v20+s4+$0x0], $0xffff;
	v19 =	vand.u32 $0xFFFFFF80, v25  }
0x18e: {  	v26 =	vadd.s32 s3, v16;
	[tilespmem:s5+$0x50] =	vst v17;
	v19 =	vor.u32 v31, v19  }
0x18f: {  	v17 =	vand.u32 $0xFFFFFF80, v26;
	v18 =	vld.idx.msk [tilespmem:v18+s4+$0x0], $0xffff;
	v27 =	vadd.s32 s1, v16;
	[tilespmem:s12+$0x50] =	vst v15  }
0x190: {  	v29 =	vor.u32 v31, v17;
	v15 =	vand.u32 $0xFFFFFF80, v27;
	v13 =	vld.idx.msk [tilespmem:v13+s4+$0x0], $0xffff  }
0x191: {  	v39 =	vadd.s32 s28, v12;
	[tilespmem:s30+$0x60] =	vst v24;
	v15 =	vor.u32 v31, v15  }
0x192: {  	v41 =	vadd.s32 s31, v12;
	v21 =	vld.idx.msk [tilespmem:v21+s4+$0x0], $0xffff;
	[tilespmem:s0+$0x60] =	vst v20;
	v17 =	vand.u32 $0xFFFFFF80, v39  }
0x193: {  	[tilespmem:s23+$0x440] =	vst v36;
	v20 =	vand.u32 $0xFFFFFF80, v41;
	v19 =	vld.idx.msk [tilespmem:v19+s4+$0x0], $0xffff;
	v17 =	vor.u32 v32, v17  }
0x194: {  	v42 =	vadd.s32 s3, v12;
	v20 =	vor.u32 v32, v20;
	[tilespmem:s5+$0x60] =	vst v18  }
0x195: {  	v43 =	vadd.s32 s1, v12;
	v18 =	vand.u32 $0xFFFFFF80, v42;
	v16 =	vld.idx.msk [tilespmem:v29+s4+$0x0], $0xffff;
	[tilespmem:s12+$0x60] =	vst v13  }
0x196: {  	[tilespmem:s22+$0x420] =	vst v35;
	v12 =	vand.u32 $0xFFFFFF80, v43;
	v44 =	vor.u32 v32, v18;
	v15 =	vld.idx.msk [tilespmem:v15+s4+$0x0], $0xffff  }
0x197: {  	v46 =	vadd.s32 s28, v11;
	v12 =	vor.u32 v32, v12;
	[tilespmem:s30+$0x70] =	vst v21  }
0x198: {  	v47 =	vor.u32 v30, v40;
	v48 =	vadd.s32 s31, v11;
	v21 =	vand.u32 $0xFFFFFF80, v46;
	[tilespmem:s0+$0x70] =	vst v19;
	v17 =	vld.idx.msk [tilespmem:v17+s4+$0x0], $0xffff  }
0x199: {  	[tilespmem:s26+$0x400] =	vst v38;
	v21 =	vor.u32 v30, v21;
	v19 =	vand.u32 $0xFFFFFF80, v48;
	v20 =	vld.idx.msk [tilespmem:v20+s4+$0x0], $0xffff  }
0x19a: {  	v45 =	vld.idx.msk [tilespmem:v37+s4+$0x0], $0xffff;
	v49 =	vadd.s32 s3, v11;
	v19 =	vor.u32 v30, v19;
	[tilespmem:s5+$0x70] =	vst v16  }
0x19b: {  	v50 =	vadd.s32 s1, v11;
	v16 =	vand.u32 $0xFFFFFF80, v49;
	v13 =	vld.idx.msk [tilespmem:v44+s4+$0x0], $0xffff;
	[tilespmem:s12+$0x70] =	vst v15  }
0x19c: {  	[tilespmem:s29+$0x470] =	vst v34;
	v11 =	vand.u32 $0xFFFFFF80, v50;
	v53 =	vadd.s32 s24, v8;
	v16 =	vor.u32 v30, v16;
	v12 =	vld.idx.msk [tilespmem:v12+s4+$0x0], $0xffff  }
0x19d: {  	v56 =	vadd.s32 s28, v8;
	v54 =	vld.idx.msk [tilespmem:v47+s4+$0x0], $0xffff;
	v11 =	vor.u32 v30, v11;
	v55 =	vand.u32 $0xFFFFFF80, v53;
	[tilespmem:s30+$0x400] =	vst v17  }
0x19e: {  	v57 =	vadd.s32 s31, v8;
	v22 =	vor.u32 v28, v55;
	[tilespmem:s0+$0x400] =	vst v20;
	v17 =	vand.u32 $0xFFFFFF80, v56;
	v21 =	vld.idx.msk [tilespmem:v21+s4+$0x0], $0xffff  }
0x19f: {  	v51 =	vadd.s32 s25, v2;
	[tilespmem:s23+$0x450] =	vst v45;
	v20 =	vand.u32 $0xFFFFFF80, v57;
	v19 =	vld.idx.msk [tilespmem:v19+s4+$0x0], $0xffff;
	v17 =	vor.u32 v28, v17  }
0x1a0: {  	v52 =	vld.idx.msk [tilespmem:v33+s4+$0x0], $0xffff;
	v58 =	vadd.s32 s3, v8;
	v20 =	vor.u32 v28, v20;
	[tilespmem:s5+$0x400] =	vst v13;
	v15 =	vand.u32 $0xFFFFFF80, v51  }
0x1a1: {  	v59 =	vadd.s32 s1, v8;
	v13 =	vand.u32 $0xFFFFFF80, v58;
	v16 =	vld.idx.msk [tilespmem:v16+s4+$0x0], $0xffff;
	v15 =	vor.u32 v7, v15;
	[tilespmem:s12+$0x400] =	vst v12  }
0x1a2: {  	[tilespmem:s26+$0x410] =	vst v54;
	v61 =	vadd.s32 s24, v6;
	v8 =	vand.u32 $0xFFFFFF80, v59;
	v13 =	vor.u32 v28, v13;
	v11 =	vld.idx.msk [tilespmem:v11+s4+$0x0], $0xffff  }
0x1a3: {  	v22 =	vld.idx.msk [tilespmem:v22+s4+$0x0], $0xffff;
	v8 =	vor.u32 v28, v8;
	v18 =	vand.u32 $0xFFFFFF80, v61;
	v62 =	vadd.s32 s28, v6;
	[tilespmem:s30+$0x410] =	vst v21  }
0x1a4: {  	v63 =	vadd.s32 s31, v6;
	v18 =	vor.u32 v14, v18;
	[tilespmem:s0+$0x410] =	vst v19;
	v21 =	vand.u32 $0xFFFFFF80, v62;
	v17 =	vld.idx.msk [tilespmem:v17+s4+$0x0], $0xffff  }
0x1a5: {  	v60 =	vadd.s32 s21, v4;
	[tilespmem:s22+$0x430] =	vst v52;
	v19 =	vand.u32 $0xFFFFFF80, v63;
	v20 =	vld.idx.msk [tilespmem:v20+s4+$0x0], $0xffff;
	v21 =	vor.u32 v14, v21  }
0x1a6: {  	v24 =	vadd.s32 s3, v6;
	v19 =	vor.u32 v14, v19;
	[tilespmem:s5+$0x410] =	vst v16;
	v12 =	vand.u32 $0xFFFFFF80, v60;
	v15 =	vld.idx.msk [tilespmem:v15+s4+$0x0], $0xffff  }
0x1a7: {  	v25 =	vadd.s32 s1, v6;
	v16 =	vand.u32 $0xFFFFFF80, v24;
	v13 =	vld.idx.msk [tilespmem:v13+s4+$0x0], $0xffff;
	v12 =	vor.u32 v10, v12;
	[tilespmem:s12+$0x410] =	vst v11  }
0x1a8: {  	[tilespmem:s26+$0x420] =	vst v22;
	v6 =	vand.u32 $0xFFFFFF80, v25;
	v28 =	vadd.s32 s24, v4;
	v27 =	vor.u32 v14, v16;
	v8 =	vld.idx.msk [tilespmem:v8+s4+$0x0], $0xffff  }
0x1a9: {  	v6 =	vor.u32 v14, v6;
	v29 =	vld.idx.msk [tilespmem:v18+s4+$0x0], $0xffff;
	v30 =	vadd.s32 s28, v4;
	v16 =	vand.u32 $0xFFFFFF80, v28;
	[tilespmem:s30+$0x420] =	vst v17  }
0x1aa: {  	v32 =	vadd.s32 s31, v4;
	[tilespmem:s0+$0x420] =	vst v20;
	v17 =	vand.u32 $0xFFFFFF80, v30;
	v16 =	vor.u32 v10, v16;
	v31 =	vld.idx.msk [tilespmem:v21+s4+$0x0], $0xffff  }
0x1ab: {  	v26 =	vadd.s32 s25, v1;
	v20 =	vand.u32 $0xFFFFFF80, v32;
	v19 =	vld.idx.msk [tilespmem:v19+s4+$0x0], $0xffff;
	v17 =	vor.u32 v10, v17;
	[tilespmem:s23+$0x460] =	vst v15  }
0x1ac: {  	v33 =	vadd.s32 s3, v4;
	v20 =	vor.u32 v10, v20;
	[tilespmem:s5+$0x420] =	vst v13;
	v11 =	vand.u32 $0xFFFFFF80, v26;
	v12 =	vld.idx.msk [tilespmem:v12+s4+$0x0], $0xffff  }
0x1ad: {  	v34 =	vadd.s32 s1, v4;
	v13 =	vand.u32 $0xFFFFFF80, v33;
	v15 =	vld.idx.msk [tilespmem:v27+s4+$0x0], $0xffff;
	v11 =	vor.u32 v5, v11;
	[tilespmem:s12+$0x420] =	vst v8  }
0x1ae: {  	v37 =	vadd.s32 s24, v3;
	[tilespmem:s26+$0x430] =	vst v29;
	v4 =	vand.u32 $0xFFFFFF80, v34;
	v36 =	vor.u32 v10, v13;
	v6 =	vld.idx.msk [tilespmem:v6+s4+$0x0], $0xffff  }
0x1af: {  	v39 =	vadd.s32 s28, v3;
	v4 =	vor.u32 v10, v4;
	v38 =	vld.idx.msk [tilespmem:v16+s4+$0x0], $0xffff;
	v13 =	vand.u32 $0xFFFFFF80, v37;
	[tilespmem:s30+$0x430] =	vst v31  }
0x1b0: {  	v41 =	vadd.s32 s31, v3;
	v14 =	vand.u32 $0xFFFFFF80, v39;
	[tilespmem:s0+$0x430] =	vst v19;
	v13 =	vor.u32 v9, v13;
	v40 =	vld.idx.msk [tilespmem:v17+s4+$0x0], $0xffff  }
0x1b1: {  	v35 =	vadd.s32 s21, v3;
	v14 =	vor.u32 v9, v14;
	v42 =	vld.idx.msk [tilespmem:v20+s4+$0x0], $0xffff;
	v17 =	vand.u32 $0xFFFFFF80, v41;
	[tilespmem:s22+$0x440] =	vst v12  }
0x1b2: {  	v43 =	vadd.s32 s3, v3;
	v17 =	vor.u32 v9, v17;
	[tilespmem:s5+$0x430] =	vst v15;
	v8 =	vand.u32 $0xFFFFFF80, v35;
	v11 =	vld.idx.msk [tilespmem:v11+s4+$0x0], $0xffff  }
0x1b3: {  	v3 =	vadd.s32 s1, v3;
	v15 =	vand.u32 $0xFFFFFF80, v43;
	v12 =	vld.idx.msk [tilespmem:v36+s4+$0x0], $0xffff;
	v8 =	vor.u32 v9, v8;
	[tilespmem:s12+$0x430] =	vst v6  }
0x1b4: {  	v46 =	vadd.s32 s24, v2;
	v3 =	vand.u32 $0xFFFFFF80, v3;
	[tilespmem:s26+$0x440] =	vst v38;
	v45 =	vor.u32 v9, v15;
	v4 =	vld.idx.msk [tilespmem:v4+s4+$0x0], $0xffff  }
0x1b5: {  	v48 =	vadd.s32 s28, v2;
	v3 =	vor.u32 v9, v3;
	v10 =	vand.u32 $0xFFFFFF80, v46;
	v47 =	vld.idx.msk [tilespmem:v13+s4+$0x0], $0xffff;
	[tilespmem:s30+$0x440] =	vst v40  }
0x1b6: {  	v49 =	vadd.s32 s31, v2;
	v10 =	vor.u32 v7, v10;
	[tilespmem:s0+$0x440] =	vst v42;
	v13 =	vand.u32 $0xFFFFFF80, v48;
	v14 =	vld.idx.msk [tilespmem:v14+s4+$0x0], $0xffff  }
0x1b7: {  	v44 =	vadd.s32 s21, v2;
	v15 =	vand.u32 $0xFFFFFF80, v49;
	v13 =	vor.u32 v7, v13;
	v50 =	vld.idx.msk [tilespmem:v17+s4+$0x0], $0xffff;
	[tilespmem:s23+$0x470] =	vst v11  }
0x1b8: {  	v51 =	vadd.s32 s3, v2;
	v15 =	vor.u32 v7, v15;
	[tilespmem:s5+$0x440] =	vst v12;
	v8 =	vld.idx.msk [tilespmem:v8+s4+$0x0], $0xffff;
	v6 =	vand.u32 $0xFFFFFF80, v44  }
0x1b9: {  	v2 =	vadd.s32 s1, v2;
	v12 =	vand.u32 $0xFFFFFF80, v51;
	v11 =	vld.idx.msk [tilespmem:v45+s4+$0x0], $0xffff;
	v6 =	vor.u32 v7, v6;
	[tilespmem:s12+$0x440] =	vst v4  }
0x1ba: {  	v54 =	vadd.s32 s24, v1;
	v2 =	vand.u32 $0xFFFFFF80, v2;
	[tilespmem:s26+$0x450] =	vst v47;
	v53 =	vor.u32 v7, v12;
	v3 =	vld.idx.msk [tilespmem:v3+s4+$0x0], $0xffff  }
0x1bb: {  	v56 =	vadd.s32 s28, v1;
	v2 =	vor.u32 v7, v2;
	v9 =	vand.u32 $0xFFFFFF80, v54;
	v55 =	vld.idx.msk [tilespmem:v10+s4+$0x0], $0xffff;
	[tilespmem:s30+$0x450] =	vst v14  }
0x1bc: {  	v58 =	vadd.s32 s31, v1;
	v9 =	vor.u32 v5, v9;
	v10 =	vand.u32 $0xFFFFFF80, v56;
	[tilespmem:s0+$0x450] =	vst v50;
	v57 =	vld.idx.msk [tilespmem:v13+s4+$0x0], $0xffff  }
0x1bd: {  	v52 =	vadd.s32 s21, v1;
	v10 =	vor.u32 v5, v10;
	v59 =	vld.idx.msk [tilespmem:v15+s4+$0x0], $0xffff;
	v13 =	vand.u32 $0xFFFFFF80, v58;
	[tilespmem:s22+$0x450] =	vst v8  }
0x1be: {  	v60 =	vadd.s32 s3, v1;
	v13 =	vor.u32 v5, v13;
	[tilespmem:s5+$0x450] =	vst v11;
	v6 =	vld.idx.msk [tilespmem:v6+s4+$0x0], $0xffff;
	v4 =	vand.u32 $0xFFFFFF80, v52  }
0x1bf: {  	v1 =	vadd.s32 s1, v1;
	v11 =	vand.u32 $0xFFFFFF80, v60;
	v8 =	vld.idx.msk [tilespmem:v53+s4+$0x0], $0xffff;
	v4 =	vor.u32 v5, v4;
	[tilespmem:s12+$0x450] =	vst v3  }
0x1c0: {  	v1 =	vand.u32 $0xFFFFFF80, v1;
	[tilespmem:s26+$0x460] =	vst v55;
	v3 =	vor.u32 v5, v11;
	v2 =	vld.idx.msk [tilespmem:v2+s4+$0x0], $0xffff  }
0x1c1: {  	v1 =	vor.u32 v5, v1;
	v61 =	vld.idx.msk [tilespmem:v9+s4+$0x0], $0xffff;
	[tilespmem:s30+$0x460] =	vst v57  }
0x1c2: {  	[tilespmem:s0+$0x460] =	vst v59;
	v62 =	vld.idx.msk [tilespmem:v10+s4+$0x0], $0xffff  }
0x1c3: {  	v63 =	vld.idx.msk [tilespmem:v13+s4+$0x0], $0xffff;
	[tilespmem:s22+$0x460] =	vst v6  }
0x1c4: {  	[tilespmem:s5+$0x460] =	vst v8;
	v4 =	vld.idx.msk [tilespmem:v4+s4+$0x0], $0xffff  }
0x1c5: {  	v3 =	vld.idx.msk [tilespmem:v3+s4+$0x0], $0xffff;
	[tilespmem:s12+$0x460] =	vst v2  }
0x1c6: {  	s19 =	sadd.s32 $0x1, s19;
	[tilespmem:s26+$0x470] =	vst v61;
	v1 =	vld.idx.msk [tilespmem:v1+s4+$0x0], $0xffff  }
0x1c7: {  	p0 =	sne.s32 s19, $0x32;
	[tilespmem:s30+$0x470] =	vst v62  }
.Ltmp2:
0x1c8: {  	[tilespmem:s0+$0x470] =	vst v63;
	(pc) =	sbr.rel @p0 .LBB2_2-.Ltmp2, $4  }
0x1c9: {  	s31 =	sor.u32 s7, s20;
	[tilespmem:s22+$0x470] =	vst v4  }
0x1ca: {  	s0 =	sshrl.u32 s31, $0x3;
	[tilespmem:s5+$0x470] =	vst v3  }
0x1cb: {  	s0 =	sadd.s32 s2, s0;
	[tilespmem:s12+$0x470] =	vst v1  }
0x1cc: {  	[hbm4b:s0+s13] =	stream.strided.scatter [tilespmem:s15], [sflag:$0x2], $0x6000, s11, s13, $0x38;
	[tilespmem:$0x19000] =	vst v63  }
0x1cd: {  	_ =	swait.ge [sflag:s16], $0x6000  }
0x1ce: {  	[sflag:s16] =	ssyncset.done $0x0  }
0x1cf: {  	[sflag:s16] =	ssyncadd.s32 $0xFFFFA000  }
0x1d0: {  	_ =	swait.ge [sflag:s17], $0x6000  }
0x1d1: {  	s18 =	sadd.s32 $0x1, s18;
	s0 =	rddreg [dreg:$0x5]  }
0x1d2: {  	p0 =	sne.s32 s18, s0  }
.Ltmp3:
0x1d3: {  	_ = 	snop;
	(pc) =	sbr.rel @p0 .LBB2_1-.Ltmp3, $3  }
0x1d4: {  	_ =	sdelay $0x1  }
0x1d5: {  	[sflag:s17] =	ssyncset.done $0x0  }
0x1d6: {  	[sflag:s17] =	ssyncadd.s32 $0xFFFFA000  }
0x1d7: {  	_ =	sfence.sel $0x180000  }
0x1d8: {  	[bflag:$0x0] =	sbarrier.arrive $0xFFFF  }
0x1d9: {  	_ =	strace $0x90000047  }
0x1da: {  	s0 =	stileid.u32;
	[bflag:$0x2] =	sbarrier.arrive $0xFFFF  }
0x1db: {  	p0 =	sne.s32 s0, $0x0;
	s0 =	rddreg [dreg:$0x3]  }
0x1dc: {  	s0 =	sadd.s32 @!p0 $0x100000, s0  }
0x1dd: {  	[sflag:s0] =	ssyncadd.tile.s32 @!p0 $0x1;
	_ =	shalt  }
.Lfunc_end2:
_tile_overlayer_lowered:
.L_overlay_start_2:
0x1de: {  	(tag) =	ssettag $0x2  }
0x1df: {  	s0 =	rddreg [dreg:$0x0];
	s2 =	stileid.u32  }
0x1e0: {  	s1 =	rddreg [dreg:$0x1];
	p0 =	sne.s32 s2, $0x0  }
0x1e1: {  	s3 =	rddreg [dreg:$0x2];
	[bflag:$0x3] =	sbarrier.arrive $0xFFFF;
	s2 =	simm.s32 @!p0 $0x1C03  }
0x1e2: {  	[timem:s3], [sflag:s2] =	dma.local @!p0 [hbm:s0], s1  }
0x1e3: {  	s0 =	simm.s32 @!p0 $0x3  }
0x1e4: {  	_ =	swait.ge @!p0 [sflag:s0], s1  }
0x1e5: {  	s1 =	ssub.s32 @!p0 $0x0, s1;
	[sflag:s0] =	ssyncset.done @!p0 $0x0  }
0x1e6: {  	[sflag:s0] =	ssyncadd.s32 @!p0 s1  }
0x1e7: {  	[bflag:$0x3] =	sbarrier.arrive $0xFFFF  }
0x1e8: {  	_ =	shalt  }

</sc_bundles>
